<compile_context>
chip_gen: v7x
topology: tpu7x:2x2x1
jax: 0.10.2.dev20260603
libtpu: 0.0.44.dev20260713+nightly
codegen_flags: <defaults>
</compile_context>

<pallas_src>
import functools

import jax
import jax.numpy as jnp
from jax import lax
from jax.experimental import pallas as pl
from jax.experimental.pallas import tpu as pltpu
from jax.experimental.pallas import tpu_sc as plsc

N = 16384
NUM_TILES = 16
CHUNK = N // NUM_TILES
LANES = 16
ROWS = 16

_mesh = plsc.VectorSubcoreMesh(core_axis_name="c", subcore_axis_name="s",
                               num_cores=1)


@functools.partial(
    pl.kernel,
    mesh=_mesh,
    compiler_params=pltpu.CompilerParams(needs_layout_passes=False),
    out_type=jax.ShapeDtypeStruct((1,), jnp.float32),
    scratch_types=[
        pltpu.VMEM((CHUNK,), jnp.int32),
        pltpu.VMEM((CHUNK,), jnp.int32),
        pltpu.VMEM((ROWS * LANES,), jnp.float32),
        pltpu.VMEM_SHARED((NUM_TILES, ROWS * LANES), jnp.float32),
        pltpu.VMEM((NUM_TILES, ROWS * LANES), jnp.float32),
        pltpu.VMEM((LANES,), jnp.float32),
        pltpu.SemaphoreType.DMA,
        pltpu.SemaphoreType.DMA,
    ],
)
def _f1_sc(pred_hbm, real_hbm, out_hbm, pred_v, real_v, hist_v, shared,
           all_v, out_v, sem_p, sem_r):
    cid = lax.axis_index("c")
    sid = lax.axis_index("s")
    lane = lax.iota(jnp.int32, LANES)
    zero16 = jnp.zeros((LANES,), jnp.float32)
    ones16 = jnp.ones((LANES,), jnp.float32)

    base = sid * CHUNK
    cp_p = pltpu.async_copy(pred_hbm.at[pl.ds(base, CHUNK)], pred_v, sem_p)
    cp_r = pltpu.async_copy(real_hbm.at[pl.ds(base, CHUNK)], real_v, sem_r)
    for r in range(ROWS):
        hist_v[pl.ds(r * LANES, LANES)] = zero16
    cp_p.wait()
    cp_r.wait()
    @plsc.parallel_loop(0, CHUNK, step=LANES, unroll=8)
    def _scatter(i):
        p = pred_v[pl.ds(i, LANES)]
        r = real_v[pl.ds(i, LANES)]
        plsc.addupdate_scatter(hist_v, [r * LANES + p], ones16)

    pltpu.sync_copy(hist_v, shared.at[sid])
    plsc.subcore_barrier()

    @pl.when(sid == 0)
    def _reduce_and_f1():
        pltpu.sync_copy(shared, all_v)
        rows = []
        for r in range(7):
            acc = zero16
            for t in range(NUM_TILES):
                acc = acc + all_v[t, pl.ds(r * LANES, LANES)]
            rows.append(acc)

        n2v = zero16
        diagv = zero16
        nv = zero16
        for r in range(7):
            n2v = n2v + rows[r]
            rmask = lane == r
            diagv = diagv + jnp.where(rmask, rows[r], 0.0)
            nv = nv + jnp.where(rmask, jnp.sum(rows[r]), 0.0)

        totalv = zero16 + jnp.sum(nv)
        weight = nv / totalv
        recall = diagv / jnp.maximum(nv, 1.0)
        precision = diagv / jnp.maximum(n2v, 1.0)
        denom = precision + recall
        f1 = jnp.where(denom > 0.0,
                       2.0 * precision * recall / jnp.maximum(denom, 1e-30),
                       0.0)
        f1sum_v = zero16 + jnp.sum(f1)
        wsum_v = zero16 + jnp.sum(weight)
        seven_v = zero16 + 7.0
        loss_v = 1.0 - (f1sum_v / seven_v) * wsum_v

        empty_cols = jnp.logical_and(n2v == 0.0, lane < 7)
        n_empty = plsc.all_reduce_population_count(empty_cols)
        first_nz = plsc.all_reduce_ffs(n2v != 0.0)
        w_idx_v = zero16 + jnp.sum(jnp.where(lane == first_nz, weight, 0.0))
        loss_v = jnp.where(n_empty > 5, loss_v + loss_v * w_idx_v * 100.0,
                           loss_v)
        out_v[...] = loss_v
        pltpu.sync_copy(out_v.at[pl.ds(0, 1)], out_hbm)


def kernel(pred, real):
    out = _f1_sc(pred.astype(jnp.int32), real.astype(jnp.int32))
    return jnp.reshape(out, ())

# --- scband reference (transcript-rebuilt; emitter-appended) ---
"""Pipeline reference for scband-f1-score-30365418783013 (READ-ONLY COPY).

The authoritative reference and input builder live on the scoring server;
editing this copy changes nothing except your own understanding.
"""

import jax, jax.numpy as jnp
import numpy as np

N = 16384

def setup_inputs(seed: int = 0) -> dict:
    key = jax.random.key(seed)
    k1, k2 = jax.random.split(key)
    pred = jax.random.randint(k1, (N,), 0, 7, dtype=jnp.int64 if jax.config.jax_enable_x64 else jnp.int32)
    real = jax.random.randint(k2, (N,), 0, 7, dtype=jnp.int64 if jax.config.jax_enable_x64 else jnp.int32)
    return {"pred": pred, "real": real}

def reference(pred, real):
    # confusion_matrix[real[i], pred[i]] += 1 via scatter-add
    cm = jnp.zeros((7, 7), dtype=jnp.float32).at[real, pred].add(1.0)
    n = jnp.nan_to_num(cm.sum(axis=1))
    n2 = jnp.nan_to_num(cm.sum(axis=0))
    weight_ = n
    weight_ = jnp.where(jnp.isinf(weight_), 0.0, weight_)
    weight_ = jnp.nan_to_num(weight_)
    weight_ = weight_ / weight_.sum()
    diag = jnp.diag(cm)
    recall_ = jnp.nan_to_num(diag / n)
    precision_ = jnp.nan_to_num(diag / n2)
    f1 = 2 * precision_ * recall_ / (precision_ + recall_)
    loss = jnp.nan_to_num(f1).mean()
    loss = (jnp.nan_to_num(loss) * weight_).sum()
    loss = 1.0 - loss
    # penalty branch: fewer than 2 predicted classes (>5 empty columns)
    cond = (n2 == 0).sum() > 5
    idx = jnp.argmax(n2 != 0)
    loss = jnp.where(cond, loss + loss * weight_[idx] * 100.0, loss)
    return loss

if __name__ == "__main__":
    import jax
    _d = setup_inputs()
    print(jax.jit(kernel)(*tuple(_d.values())))

</pallas_src>

<mosaic_0001>
#map = affine_map<(d0, d1) -> (0)>
module attributes {stable_mosaic.version = 14 : i64} {
  func.func @_f1_sc(%arg0: i32, %arg1: i32, %arg2: memref<16384xi32, #tpu.memory_space<hbm>>, %arg3: memref<16384xi32, #tpu.memory_space<hbm>>, %arg4: memref<1xf32, #tpu.memory_space<hbm>>, %arg5: memref<1024xi32, #tpu.memory_space<vmem>>, %arg6: memref<1024xi32, #tpu.memory_space<vmem>>, %arg7: memref<256xf32, #tpu.memory_space<vmem>>, %arg8: memref<16x256xf32, #tpu.memory_space<vmem_shared>>, %arg9: memref<16x256xf32, #tpu.memory_space<vmem>>, %arg10: memref<16xf32, #tpu.memory_space<vmem>>, %arg11: memref<!tpu.dma_semaphore, #tpu.memory_space<semaphore_mem>>, %arg12: memref<!tpu.dma_semaphore, #tpu.memory_space<semaphore_mem>>) attributes {dimension_semantics = [#tpu.dimension_semantics<core_parallel>, #tpu.dimension_semantics<subcore_parallel>], iteration_bounds = array<i64: 1, 16>, scalar_prefetch = 0 : i64, scratch_operands = 8 : i64, tpu.core_type = #tpu.core_type<sc_vector_subcore>, window_params = [{transform_indices = #map}, {transform_indices = #map}, {transform_indices = #map}]} {
    %iota3A = tpu.iota {dimensions = array<i32: 0>} : vector<16xi32>
    %broadcast_in_dim3A = arith.constant 0.000000e+00 : f32
    %broadcast_in_dim3A_0 = vector.broadcast %broadcast_in_dim3A : f32 to vector<16xf32>
    %broadcast_in_dim3A_1 = arith.constant 1.000000e+00 : f32
    %broadcast_in_dim3A_2 = vector.broadcast %broadcast_in_dim3A_1 : f32 to vector<16xf32>
    %mul3A = arith.constant 1024 : i32
    %mul3A_3 = arith.muli %arg1, %mul3A : i32
    %dma_start3A = tpu.memref_slice %arg2[%mul3A_3] : memref<16384xi32, #tpu.memory_space<hbm>> -> memref<1024xi32, #tpu.memory_space<hbm>>
    %dma_start3A_4 = tpu.memref_slice %arg2[%mul3A_3] : memref<16384xi32, #tpu.memory_space<hbm>> -> memref<1024xi32, #tpu.memory_space<hbm>>
    tpu.enqueue_dma source(%dma_start3A_4 : memref<1024xi32, #tpu.memory_space<hbm>>) target(%arg5 : memref<1024xi32, #tpu.memory_space<vmem>>) target_semaphore(%arg11 : memref<!tpu.dma_semaphore, #tpu.memory_space<semaphore_mem>>)
    %dma_start3A_5 = tpu.memref_slice %arg3[%mul3A_3] : memref<16384xi32, #tpu.memory_space<hbm>> -> memref<1024xi32, #tpu.memory_space<hbm>>
    %dma_start3A_6 = tpu.memref_slice %arg3[%mul3A_3] : memref<16384xi32, #tpu.memory_space<hbm>> -> memref<1024xi32, #tpu.memory_space<hbm>>
    tpu.enqueue_dma source(%dma_start3A_6 : memref<1024xi32, #tpu.memory_space<hbm>>) target(%arg6 : memref<1024xi32, #tpu.memory_space<vmem>>) target_semaphore(%arg12 : memref<!tpu.dma_semaphore, #tpu.memory_space<semaphore_mem>>)
    %swap3A = arith.constant 0 : index
    %swap3A_7 = tpu.vector_load %arg7[%swap3A] {strides = array<i32>} : memref<256xf32, #tpu.memory_space<vmem>>, vector<16xf32>,
    tpu.vector_store %arg7[%swap3A], %broadcast_in_dim3A_0 {strides = array<i32>} : memref<256xf32, #tpu.memory_space<vmem>>, vector<16xf32>,
    %swap3A_8 = arith.constant 16 : index
    %swap3A_9 = tpu.vector_load %arg7[%swap3A_8] {strides = array<i32>} : memref<256xf32, #tpu.memory_space<vmem>>, vector<16xf32>,
    tpu.vector_store %arg7[%swap3A_8], %broadcast_in_dim3A_0 {strides = array<i32>} : memref<256xf32, #tpu.memory_space<vmem>>, vector<16xf32>,
    %swap3A_10 = arith.constant 32 : index
    %swap3A_11 = tpu.vector_load %arg7[%swap3A_10] {strides = array<i32>} : memref<256xf32, #tpu.memory_space<vmem>>, vector<16xf32>,
    tpu.vector_store %arg7[%swap3A_10], %broadcast_in_dim3A_0 {strides = array<i32>} : memref<256xf32, #tpu.memory_space<vmem>>, vector<16xf32>,
    %swap3A_12 = arith.constant 48 : index
    %swap3A_13 = tpu.vector_load %arg7[%swap3A_12] {strides = array<i32>} : memref<256xf32, #tpu.memory_space<vmem>>, vector<16xf32>,
    tpu.vector_store %arg7[%swap3A_12], %broadcast_in_dim3A_0 {strides = array<i32>} : memref<256xf32, #tpu.memory_space<vmem>>, vector<16xf32>,
    %swap3A_14 = arith.constant 64 : index
    %swap3A_15 = tpu.vector_load %arg7[%swap3A_14] {strides = array<i32>} : memref<256xf32, #tpu.memory_space<vmem>>, vector<16xf32>,
    tpu.vector_store %arg7[%swap3A_14], %broadcast_in_dim3A_0 {strides = array<i32>} : memref<256xf32, #tpu.memory_space<vmem>>, vector<16xf32>,
    %swap3A_16 = arith.constant 80 : index
    %swap3A_17 = tpu.vector_load %arg7[%swap3A_16] {strides = array<i32>} : memref<256xf32, #tpu.memory_space<vmem>>, vector<16xf32>,
    tpu.vector_store %arg7[%swap3A_16], %broadcast_in_dim3A_0 {strides = array<i32>} : memref<256xf32, #tpu.memory_space<vmem>>, vector<16xf32>,
    %swap3A_18 = arith.constant 96 : index
    %swap3A_19 = tpu.vector_load %arg7[%swap3A_18] {strides = array<i32>} : memref<256xf32, #tpu.memory_space<vmem>>, vector<16xf32>,
    tpu.vector_store %arg7[%swap3A_18], %broadcast_in_dim3A_0 {strides = array<i32>} : memref<256xf32, #tpu.memory_space<vmem>>, vector<16xf32>,
    %swap3A_20 = arith.constant 112 : index
    %swap3A_21 = tpu.vector_load %arg7[%swap3A_20] {strides = array<i32>} : memref<256xf32, #tpu.memory_space<vmem>>, vector<16xf32>,
    tpu.vector_store %arg7[%swap3A_20], %broadcast_in_dim3A_0 {strides = array<i32>} : memref<256xf32, #tpu.memory_space<vmem>>, vector<16xf32>,
    %swap3A_22 = arith.constant 128 : index
    %swap3A_23 = tpu.vector_load %arg7[%swap3A_22] {strides = array<i32>} : memref<256xf32, #tpu.memory_space<vmem>>, vector<16xf32>,
    tpu.vector_store %arg7[%swap3A_22], %broadcast_in_dim3A_0 {strides = array<i32>} : memref<256xf32, #tpu.memory_space<vmem>>, vector<16xf32>,
    %swap3A_24 = arith.constant 144 : index
    %swap3A_25 = tpu.vector_load %arg7[%swap3A_24] {strides = array<i32>} : memref<256xf32, #tpu.memory_space<vmem>>, vector<16xf32>,
    tpu.vector_store %arg7[%swap3A_24], %broadcast_in_dim3A_0 {strides = array<i32>} : memref<256xf32, #tpu.memory_space<vmem>>, vector<16xf32>,
    %swap3A_26 = arith.constant 160 : index
    %swap3A_27 = tpu.vector_load %arg7[%swap3A_26] {strides = array<i32>} : memref<256xf32, #tpu.memory_space<vmem>>, vector<16xf32>,
    tpu.vector_store %arg7[%swap3A_26], %broadcast_in_dim3A_0 {strides = array<i32>} : memref<256xf32, #tpu.memory_space<vmem>>, vector<16xf32>,
    %swap3A_28 = arith.constant 176 : index
    %swap3A_29 = tpu.vector_load %arg7[%swap3A_28] {strides = array<i32>} : memref<256xf32, #tpu.memory_space<vmem>>, vector<16xf32>,
    tpu.vector_store %arg7[%swap3A_28], %broadcast_in_dim3A_0 {strides = array<i32>} : memref<256xf32, #tpu.memory_space<vmem>>, vector<16xf32>,
    %swap3A_30 = arith.constant 192 : index
    %swap3A_31 = tpu.vector_load %arg7[%swap3A_30] {strides = array<i32>} : memref<256xf32, #tpu.memory_space<vmem>>, vector<16xf32>,
    tpu.vector_store %arg7[%swap3A_30], %broadcast_in_dim3A_0 {strides = array<i32>} : memref<256xf32, #tpu.memory_space<vmem>>, vector<16xf32>,
    %swap3A_32 = arith.constant 208 : index
    %swap3A_33 = tpu.vector_load %arg7[%swap3A_32] {strides = array<i32>} : memref<256xf32, #tpu.memory_space<vmem>>, vector<16xf32>,
    tpu.vector_store %arg7[%swap3A_32], %broadcast_in_dim3A_0 {strides = array<i32>} : memref<256xf32, #tpu.memory_space<vmem>>, vector<16xf32>,
    %swap3A_34 = arith.constant 224 : index
    %swap3A_35 = tpu.vector_load %arg7[%swap3A_34] {strides = array<i32>} : memref<256xf32, #tpu.memory_space<vmem>>, vector<16xf32>,
    tpu.vector_store %arg7[%swap3A_34], %broadcast_in_dim3A_0 {strides = array<i32>} : memref<256xf32, #tpu.memory_space<vmem>>, vector<16xf32>,
    %swap3A_36 = arith.constant 240 : index
    %swap3A_37 = tpu.vector_load %arg7[%swap3A_36] {strides = array<i32>} : memref<256xf32, #tpu.memory_space<vmem>>, vector<16xf32>,
    tpu.vector_store %arg7[%swap3A_36], %broadcast_in_dim3A_0 {strides = array<i32>} : memref<256xf32, #tpu.memory_space<vmem>>, vector<16xf32>,
    %dma_wait3A = tpu.memref_slice %arg2[%mul3A_3] : memref<16384xi32, #tpu.memory_space<hbm>> -> memref<1024xi32, #tpu.memory_space<hbm>>
    %dma_wait3A_38 = tpu.memref_slice %arg2[%mul3A_3] : memref<16384xi32, #tpu.memory_space<hbm>> -> memref<1024xi32, #tpu.memory_space<hbm>>
    tpu.wait_dma2 semaphore(%arg11 : memref<!tpu.dma_semaphore, #tpu.memory_space<semaphore_mem>>) src(%dma_wait3A_38 : memref<1024xi32, #tpu.memory_space<hbm>>) dst(%arg5 : memref<1024xi32, #tpu.memory_space<vmem>>)
    %dma_wait3A_39 = tpu.memref_slice %arg3[%mul3A_3] : memref<16384xi32, #tpu.memory_space<hbm>> -> memref<1024xi32, #tpu.memory_space<hbm>>
    %dma_wait3A_40 = tpu.memref_slice %arg3[%mul3A_3] : memref<16384xi32, #tpu.memory_space<hbm>> -> memref<1024xi32, #tpu.memory_space<hbm>>
    tpu.wait_dma2 semaphore(%arg12 : memref<!tpu.dma_semaphore, #tpu.memory_space<semaphore_mem>>) src(%dma_wait3A_40 : memref<1024xi32, #tpu.memory_space<hbm>>) dst(%arg6 : memref<1024xi32, #tpu.memory_space<vmem>>)
    %parallel_loop3A = arith.constant 0 : i32
    %parallel_loop3A_41 = arith.constant 1024 : i32
    %parallel_loop3A_42 = arith.constant 16 : i32
    scf.for %parallel_loop3A_45 = %parallel_loop3A to %parallel_loop3A_41 step %parallel_loop3A_42  : i32 {
      %parallel_loop3A_46 = arith.index_cast %parallel_loop3A_45 : i32 to index
      %parallel_loop3A_47 = tpu.vector_load %arg5[%parallel_loop3A_46] {strides = array<i32>} : memref<1024xi32, #tpu.memory_space<vmem>>, vector<16xi32>,
      %parallel_loop3A_48 = arith.index_cast %parallel_loop3A_45 : i32 to index
      %parallel_loop3A_49 = tpu.vector_load %arg6[%parallel_loop3A_48] {strides = array<i32>} : memref<1024xi32, #tpu.memory_space<vmem>>, vector<16xi32>,
      %parallel_loop3A_50 = arith.constant 16 : i32
      %parallel_loop3A_51 = vector.broadcast %parallel_loop3A_50 : i32 to vector<16xi32>
      %parallel_loop3A_52 = arith.muli %parallel_loop3A_49, %parallel_loop3A_51 : vector<16xi32>
      %parallel_loop3A_53 = arith.addi %parallel_loop3A_52, %parallel_loop3A_47 : vector<16xi32>
      tpu.vector_store_idx %arg7[%parallel_loop3A_53], %broadcast_in_dim3A_2 {add = true} : memref<256xf32, #tpu.memory_space<vmem>>[vector<16xi32>], vector<16xf32>,
    } {sc.loop_unroll_factor = 8 : i64, sc.parallel_access}
    "tpu.region"() ({
      %run_scoped3A = tpu.sem_alloc : memref<!tpu.dma_semaphore, #tpu.memory_space<semaphore_mem>>
      %dma_start3A_45 = arith.constant 0 : i32
      %dma_start3A_46 = tpu.memref_slice %arg8[%arg1, %dma_start3A_45] : memref<16x256xf32, #tpu.memory_space<vmem_shared>> -> memref<1x256xf32, #tpu.memory_space<vmem_shared>>
      %dma_start3A_47 = tpu.memref_squeeze %dma_start3A_46 : memref<1x256xf32, #tpu.memory_space<vmem_shared>> -> memref<256xf32, #tpu.memory_space<vmem_shared>>
      %dma_start3A_48 = arith.constant 0 : i32
      %dma_start3A_49 = tpu.memref_slice %arg8[%arg1, %dma_start3A_48] : memref<16x256xf32, #tpu.memory_space<vmem_shared>> -> memref<1x256xf32, #tpu.memory_space<vmem_shared>>
      %dma_start3A_50 = tpu.memref_squeeze %dma_start3A_49 : memref<1x256xf32, #tpu.memory_space<vmem_shared>> -> memref<256xf32, #tpu.memory_space<vmem_shared>>
      tpu.enqueue_dma source(%arg7 : memref<256xf32, #tpu.memory_space<vmem>>) target(%dma_start3A_50 : memref<256xf32, #tpu.memory_space<vmem_shared>>) target_semaphore(%run_scoped3A : memref<!tpu.dma_semaphore, #tpu.memory_space<semaphore_mem>>)
      %dma_wait3A_51 = arith.constant 0 : i32
      %dma_wait3A_52 = tpu.memref_slice %arg8[%arg1, %dma_wait3A_51] : memref<16x256xf32, #tpu.memory_space<vmem_shared>> -> memref<1x256xf32, #tpu.memory_space<vmem_shared>>
      %dma_wait3A_53 = tpu.memref_squeeze %dma_wait3A_52 : memref<1x256xf32, #tpu.memory_space<vmem_shared>> -> memref<256xf32, #tpu.memory_space<vmem_shared>>
      %dma_wait3A_54 = arith.constant 0 : i32
      %dma_wait3A_55 = tpu.memref_slice %arg8[%arg1, %dma_wait3A_54] : memref<16x256xf32, #tpu.memory_space<vmem_shared>> -> memref<1x256xf32, #tpu.memory_space<vmem_shared>>
      %dma_wait3A_56 = tpu.memref_squeeze %dma_wait3A_55 : memref<1x256xf32, #tpu.memory_space<vmem_shared>> -> memref<256xf32, #tpu.memory_space<vmem_shared>>
      tpu.wait_dma2 semaphore(%run_scoped3A : memref<!tpu.dma_semaphore, #tpu.memory_space<semaphore_mem>>) src(%arg7 : memref<256xf32, #tpu.memory_space<vmem>>) dst(%dma_wait3A_56 : memref<256xf32, #tpu.memory_space<vmem_shared>>)
      tpu.yield
    }) : () -> ()
    %barrier3A = arith.constant 0 : index
    tpu.barrier barrier_id(%barrier3A)
    %eq3A = arith.constant 0 : i32
    %eq3A_43 = arith.cmpi eq, %arg1, %eq3A : i32
    %convert_element_type3A = arith.extui %eq3A_43 : i1 to i32
    %cond3A = arith.constant 0 : i32
    %cond3A_44 = arith.cmpi ne, %convert_element_type3A, %cond3A : i32
    scf.if %cond3A_44 {
      "tpu.region"() ({
        %run_scoped3A = tpu.sem_alloc : memref<!tpu.dma_semaphore, #tpu.memory_space<semaphore_mem>>
        tpu.enqueue_dma source(%arg8 : memref<16x256xf32, #tpu.memory_space<vmem_shared>>) target(%arg9 : memref<16x256xf32, #tpu.memory_space<vmem>>) target_semaphore(%run_scoped3A : memref<!tpu.dma_semaphore, #tpu.memory_space<semaphore_mem>>)
        tpu.wait_dma2 semaphore(%run_scoped3A : memref<!tpu.dma_semaphore, #tpu.memory_space<semaphore_mem>>) src(%arg8 : memref<16x256xf32, #tpu.memory_space<vmem_shared>>) dst(%arg9 : memref<16x256xf32, #tpu.memory_space<vmem>>)
        tpu.yield
      }) : () -> ()
      %get3A = arith.constant 0 : i32
      %get3A_45 = arith.index_cast %get3A : i32 to index
      %get3A_46 = arith.constant 0 : index
      %get3A_47 = tpu.vector_load %arg9[%get3A_45, %get3A_46] {strides = array<i32>} : memref<16x256xf32, #tpu.memory_space<vmem>>, vector<16xf32>,
      %add3A = arith.addf %broadcast_in_dim3A_0, %get3A_47 : vector<16xf32>
      %get3A_48 = arith.constant 1 : i32
      %get3A_49 = arith.index_cast %get3A_48 : i32 to index
      %get3A_50 = arith.constant 0 : index
      %get3A_51 = tpu.vector_load %arg9[%get3A_49, %get3A_50] {strides = array<i32>} : memref<16x256xf32, #tpu.memory_space<vmem>>, vector<16xf32>,
      %add3A_52 = arith.addf %add3A, %get3A_51 : vector<16xf32>
      %get3A_53 = arith.constant 2 : i32
      %get3A_54 = arith.index_cast %get3A_53 : i32 to index
      %get3A_55 = arith.constant 0 : index
      %get3A_56 = tpu.vector_load %arg9[%get3A_54, %get3A_55] {strides = array<i32>} : memref<16x256xf32, #tpu.memory_space<vmem>>, vector<16xf32>,
      %add3A_57 = arith.addf %add3A_52, %get3A_56 : vector<16xf32>
      %get3A_58 = arith.constant 3 : i32
      %get3A_59 = arith.index_cast %get3A_58 : i32 to index
      %get3A_60 = arith.constant 0 : index
      %get3A_61 = tpu.vector_load %arg9[%get3A_59, %get3A_60] {strides = array<i32>} : memref<16x256xf32, #tpu.memory_space<vmem>>, vector<16xf32>,
      %add3A_62 = arith.addf %add3A_57, %get3A_61 : vector<16xf32>
      %get3A_63 = arith.constant 4 : i32
      %get3A_64 = arith.index_cast %get3A_63 : i32 to index
      %get3A_65 = arith.constant 0 : index
      %get3A_66 = tpu.vector_load %arg9[%get3A_64, %get3A_65] {strides = array<i32>} : memref<16x256xf32, #tpu.memory_space<vmem>>, vector<16xf32>,
      %add3A_67 = arith.addf %add3A_62, %get3A_66 : vector<16xf32>
      %get3A_68 = arith.constant 5 : i32
      %get3A_69 = arith.index_cast %get3A_68 : i32 to index
      %get3A_70 = arith.constant 0 : index
      %get3A_71 = tpu.vector_load %arg9[%get3A_69, %get3A_70] {strides = array<i32>} : memref<16x256xf32, #tpu.memory_space<vmem>>, vector<16xf32>,
      %add3A_72 = arith.addf %add3A_67, %get3A_71 : vector<16xf32>
      %get3A_73 = arith.constant 6 : i32
      %get3A_74 = arith.index_cast %get3A_73 : i32 to index
      %get3A_75 = arith.constant 0 : index
      %get3A_76 = tpu.vector_load %arg9[%get3A_74, %get3A_75] {strides = array<i32>} : memref<16x256xf32, #tpu.memory_space<vmem>>, vector<16xf32>,
      %add3A_77 = arith.addf %add3A_72, %get3A_76 : vector<16xf32>
      %get3A_78 = arith.constant 7 : i32
      %get3A_79 = arith.index_cast %get3A_78 : i32 to index
      %get3A_80 = arith.constant 0 : index
      %get3A_81 = tpu.vector_load %arg9[%get3A_79, %get3A_80] {strides = array<i32>} : memref<16x256xf32, #tpu.memory_space<vmem>>, vector<16xf32>,
      %add3A_82 = arith.addf %add3A_77, %get3A_81 : vector<16xf32>
      %get3A_83 = arith.constant 8 : i32
      %get3A_84 = arith.index_cast %get3A_83 : i32 to index
      %get3A_85 = arith.constant 0 : index
      %get3A_86 = tpu.vector_load %arg9[%get3A_84, %get3A_85] {strides = array<i32>} : memref<16x256xf32, #tpu.memory_space<vmem>>, vector<16xf32>,
      %add3A_87 = arith.addf %add3A_82, %get3A_86 : vector<16xf32>
      %get3A_88 = arith.constant 9 : i32
      %get3A_89 = arith.index_cast %get3A_88 : i32 to index
      %get3A_90 = arith.constant 0 : index
      %get3A_91 = tpu.vector_load %arg9[%get3A_89, %get3A_90] {strides = array<i32>} : memref<16x256xf32, #tpu.memory_space<vmem>>, vector<16xf32>,
      %add3A_92 = arith.addf %add3A_87, %get3A_91 : vector<16xf32>
      %get3A_93 = arith.constant 10 : i32
      %get3A_94 = arith.index_cast %get3A_93 : i32 to index
      %get3A_95 = arith.constant 0 : index
      %get3A_96 = tpu.vector_load %arg9[%get3A_94, %get3A_95] {strides = array<i32>} : memref<16x256xf32, #tpu.memory_space<vmem>>, vector<16xf32>,
      %add3A_97 = arith.addf %add3A_92, %get3A_96 : vector<16xf32>
      %get3A_98 = arith.constant 11 : i32
      %get3A_99 = arith.index_cast %get3A_98 : i32 to index
      %get3A_100 = arith.constant 0 : index
      %get3A_101 = tpu.vector_load %arg9[%get3A_99, %get3A_100] {strides = array<i32>} : memref<16x256xf32, #tpu.memory_space<vmem>>, vector<16xf32>,
      %add3A_102 = arith.addf %add3A_97, %get3A_101 : vector<16xf32>
      %get3A_103 = arith.constant 12 : i32
      %get3A_104 = arith.index_cast %get3A_103 : i32 to index
      %get3A_105 = arith.constant 0 : index
      %get3A_106 = tpu.vector_load %arg9[%get3A_104, %get3A_105] {strides = array<i32>} : memref<16x256xf32, #tpu.memory_space<vmem>>, vector<16xf32>,
      %add3A_107 = arith.addf %add3A_102, %get3A_106 : vector<16xf32>
      %get3A_108 = arith.constant 13 : i32
      %get3A_109 = arith.index_cast %get3A_108 : i32 to index
      %get3A_110 = arith.constant 0 : index
      %get3A_111 = tpu.vector_load %arg9[%get3A_109, %get3A_110] {strides = array<i32>} : memref<16x256xf32, #tpu.memory_space<vmem>>, vector<16xf32>,
      %add3A_112 = arith.addf %add3A_107, %get3A_111 : vector<16xf32>
      %get3A_113 = arith.constant 14 : i32
      %get3A_114 = arith.index_cast %get3A_113 : i32 to index
      %get3A_115 = arith.constant 0 : index
      %get3A_116 = tpu.vector_load %arg9[%get3A_114, %get3A_115] {strides = array<i32>} : memref<16x256xf32, #tpu.memory_space<vmem>>, vector<16xf32>,
      %add3A_117 = arith.addf %add3A_112, %get3A_116 : vector<16xf32>
      %get3A_118 = arith.constant 15 : i32
      %get3A_119 = arith.index_cast %get3A_118 : i32 to index
      %get3A_120 = arith.constant 0 : index
      %get3A_121 = tpu.vector_load %arg9[%get3A_119, %get3A_120] {strides = array<i32>} : memref<16x256xf32, #tpu.memory_space<vmem>>, vector<16xf32>,
      %add3A_122 = arith.addf %add3A_117, %get3A_121 : vector<16xf32>
      %get3A_123 = arith.constant 0 : i32
      %get3A_124 = arith.index_cast %get3A_123 : i32 to index
      %get3A_125 = arith.constant 16 : index
      %get3A_126 = tpu.vector_load %arg9[%get3A_124, %get3A_125] {strides = array<i32>} : memref<16x256xf32, #tpu.memory_space<vmem>>, vector<16xf32>,
      %add3A_127 = arith.addf %broadcast_in_dim3A_0, %get3A_126 : vector<16xf32>
      %get3A_128 = arith.constant 1 : i32
      %get3A_129 = arith.index_cast %get3A_128 : i32 to index
      %get3A_130 = arith.constant 16 : index
      %get3A_131 = tpu.vector_load %arg9[%get3A_129, %get3A_130] {strides = array<i32>} : memref<16x256xf32, #tpu.memory_space<vmem>>, vector<16xf32>,
      %add3A_132 = arith.addf %add3A_127, %get3A_131 : vector<16xf32>
      %get3A_133 = arith.constant 2 : i32
      %get3A_134 = arith.index_cast %get3A_133 : i32 to index
      %get3A_135 = arith.constant 16 : index
      %get3A_136 = tpu.vector_load %arg9[%get3A_134, %get3A_135] {strides = array<i32>} : memref<16x256xf32, #tpu.memory_space<vmem>>, vector<16xf32>,
      %add3A_137 = arith.addf %add3A_132, %get3A_136 : vector<16xf32>
      %get3A_138 = arith.constant 3 : i32
      %get3A_139 = arith.index_cast %get3A_138 : i32 to index
      %get3A_140 = arith.constant 16 : index
      %get3A_141 = tpu.vector_load %arg9[%get3A_139, %get3A_140] {strides = array<i32>} : memref<16x256xf32, #tpu.memory_space<vmem>>, vector<16xf32>,
      %add3A_142 = arith.addf %add3A_137, %get3A_141 : vector<16xf32>
      %get3A_143 = arith.constant 4 : i32
      %get3A_144 = arith.index_cast %get3A_143 : i32 to index
      %get3A_145 = arith.constant 16 : index
      %get3A_146 = tpu.vector_load %arg9[%get3A_144, %get3A_145] {strides = array<i32>} : memref<16x256xf32, #tpu.memory_space<vmem>>, vector<16xf32>,
      %add3A_147 = arith.addf %add3A_142, %get3A_146 : vector<16xf32>
      %get3A_148 = arith.constant 5 : i32
      %get3A_149 = arith.index_cast %get3A_148 : i32 to index
      %get3A_150 = arith.constant 16 : index
      %get3A_151 = tpu.vector_load %arg9[%get3A_149, %get3A_150] {strides = array<i32>} : memref<16x256xf32, #tpu.memory_space<vmem>>, vector<16xf32>,
      %add3A_152 = arith.addf %add3A_147, %get3A_151 : vector<16xf32>
      %get3A_153 = arith.constant 6 : i32
      %get3A_154 = arith.index_cast %get3A_153 : i32 to index
      %get3A_155 = arith.constant 16 : index
      %get3A_156 = tpu.vector_load %arg9[%get3A_154, %get3A_155] {strides = array<i32>} : memref<16x256xf32, #tpu.memory_space<vmem>>, vector<16xf32>,
      %add3A_157 = arith.addf %add3A_152, %get3A_156 : vector<16xf32>
      %get3A_158 = arith.constant 7 : i32
      %get3A_159 = arith.index_cast %get3A_158 : i32 to index
      %get3A_160 = arith.constant 16 : index
      %get3A_161 = tpu.vector_load %arg9[%get3A_159, %get3A_160] {strides = array<i32>} : memref<16x256xf32, #tpu.memory_space<vmem>>, vector<16xf32>,
      %add3A_162 = arith.addf %add3A_157, %get3A_161 : vector<16xf32>
      %get3A_163 = arith.constant 8 : i32
      %get3A_164 = arith.index_cast %get3A_163 : i32 to index
      %get3A_165 = arith.constant 16 : index
      %get3A_166 = tpu.vector_load %arg9[%get3A_164, %get3A_165] {strides = array<i32>} : memref<16x256xf32, #tpu.memory_space<vmem>>, vector<16xf32>,
      %add3A_167 = arith.addf %add3A_162, %get3A_166 : vector<16xf32>
      %get3A_168 = arith.constant 9 : i32
      %get3A_169 = arith.index_cast %get3A_168 : i32 to index
      %get3A_170 = arith.constant 16 : index
      %get3A_171 = tpu.vector_load %arg9[%get3A_169, %get3A_170] {strides = array<i32>} : memref<16x256xf32, #tpu.memory_space<vmem>>, vector<16xf32>,
      %add3A_172 = arith.addf %add3A_167, %get3A_171 : vector<16xf32>
      %get3A_173 = arith.constant 10 : i32
      %get3A_174 = arith.index_cast %get3A_173 : i32 to index
      %get3A_175 = arith.constant 16 : index
      %get3A_176 = tpu.vector_load %arg9[%get3A_174, %get3A_175] {strides = array<i32>} : memref<16x256xf32, #tpu.memory_space<vmem>>, vector<16xf32>,
      %add3A_177 = arith.addf %add3A_172, %get3A_176 : vector<16xf32>
      %get3A_178 = arith.constant 11 : i32
      %get3A_179 = arith.index_cast %get3A_178 : i32 to index
      %get3A_180 = arith.constant 16 : index
      %get3A_181 = tpu.vector_load %arg9[%get3A_179, %get3A_180] {strides = array<i32>} : memref<16x256xf32, #tpu.memory_space<vmem>>, vector<16xf32>,
      %add3A_182 = arith.addf %add3A_177, %get3A_181 : vector<16xf32>
      %get3A_183 = arith.constant 12 : i32
      %get3A_184 = arith.index_cast %get3A_183 : i32 to index
      %get3A_185 = arith.constant 16 : index
      %get3A_186 = tpu.vector_load %arg9[%get3A_184, %get3A_185] {strides = array<i32>} : memref<16x256xf32, #tpu.memory_space<vmem>>, vector<16xf32>,
      %add3A_187 = arith.addf %add3A_182, %get3A_186 : vector<16xf32>
      %get3A_188 = arith.constant 13 : i32
      %get3A_189 = arith.index_cast %get3A_188 : i32 to index
      %get3A_190 = arith.constant 16 : index
      %get3A_191 = tpu.vector_load %arg9[%get3A_189, %get3A_190] {strides = array<i32>} : memref<16x256xf32, #tpu.memory_space<vmem>>, vector<16xf32>,
      %add3A_192 = arith.addf %add3A_187, %get3A_191 : vector<16xf32>
      %get3A_193 = arith.constant 14 : i32
      %get3A_194 = arith.index_cast %get3A_193 : i32 to index
      %get3A_195 = arith.constant 16 : index
      %get3A_196 = tpu.vector_load %arg9[%get3A_194, %get3A_195] {strides = array<i32>} : memref<16x256xf32, #tpu.memory_space<vmem>>, vector<16xf32>,
      %add3A_197 = arith.addf %add3A_192, %get3A_196 : vector<16xf32>
      %get3A_198 = arith.constant 15 : i32
      %get3A_199 = arith.index_cast %get3A_198 : i32 to index
      %get3A_200 = arith.constant 16 : index
      %get3A_201 = tpu.vector_load %arg9[%get3A_199, %get3A_200] {strides = array<i32>} : memref<16x256xf32, #tpu.memory_space<vmem>>, vector<16xf32>,
      %add3A_202 = arith.addf %add3A_197, %get3A_201 : vector<16xf32>
      %get3A_203 = arith.constant 0 : i32
      %get3A_204 = arith.index_cast %get3A_203 : i32 to index
      %get3A_205 = arith.constant 32 : index
      %get3A_206 = tpu.vector_load %arg9[%get3A_204, %get3A_205] {strides = array<i32>} : memref<16x256xf32, #tpu.memory_space<vmem>>, vector<16xf32>,
      %add3A_207 = arith.addf %broadcast_in_dim3A_0, %get3A_206 : vector<16xf32>
      %get3A_208 = arith.constant 1 : i32
      %get3A_209 = arith.index_cast %get3A_208 : i32 to index
      %get3A_210 = arith.constant 32 : index
      %get3A_211 = tpu.vector_load %arg9[%get3A_209, %get3A_210] {strides = array<i32>} : memref<16x256xf32, #tpu.memory_space<vmem>>, vector<16xf32>,
      %add3A_212 = arith.addf %add3A_207, %get3A_211 : vector<16xf32>
      %get3A_213 = arith.constant 2 : i32
      %get3A_214 = arith.index_cast %get3A_213 : i32 to index
      %get3A_215 = arith.constant 32 : index
      %get3A_216 = tpu.vector_load %arg9[%get3A_214, %get3A_215] {strides = array<i32>} : memref<16x256xf32, #tpu.memory_space<vmem>>, vector<16xf32>,
      %add3A_217 = arith.addf %add3A_212, %get3A_216 : vector<16xf32>
      %get3A_218 = arith.constant 3 : i32
      %get3A_219 = arith.index_cast %get3A_218 : i32 to index
      %get3A_220 = arith.constant 32 : index
      %get3A_221 = tpu.vector_load %arg9[%get3A_219, %get3A_220] {strides = array<i32>} : memref<16x256xf32, #tpu.memory_space<vmem>>, vector<16xf32>,
      %add3A_222 = arith.addf %add3A_217, %get3A_221 : vector<16xf32>
      %get3A_223 = arith.constant 4 : i32
      %get3A_224 = arith.index_cast %get3A_223 : i32 to index
      %get3A_225 = arith.constant 32 : index
      %get3A_226 = tpu.vector_load %arg9[%get3A_224, %get3A_225] {strides = array<i32>} : memref<16x256xf32, #tpu.memory_space<vmem>>, vector<16xf32>,
      %add3A_227 = arith.addf %add3A_222, %get3A_226 : vector<16xf32>
      %get3A_228 = arith.constant 5 : i32
      %get3A_229 = arith.index_cast %get3A_228 : i32 to index
      %get3A_230 = arith.constant 32 : index
      %get3A_231 = tpu.vector_load %arg9[%get3A_229, %get3A_230] {strides = array<i32>} : memref<16x256xf32, #tpu.memory_space<vmem>>, vector<16xf32>,
      %add3A_232 = arith.addf %add3A_227, %get3A_231 : vector<16xf32>
      %get3A_233 = arith.constant 6 : i32
      %get3A_234 = arith.index_cast %get3A_233 : i32 to index
      %get3A_235 = arith.constant 32 : index
      %get3A_236 = tpu.vector_load %arg9[%get3A_234, %get3A_235] {strides = array<i32>} : memref<16x256xf32, #tpu.memory_space<vmem>>, vector<16xf32>,
      %add3A_237 = arith.addf %add3A_232, %get3A_236 : vector<16xf32>
      %get3A_238 = arith.constant 7 : i32
      %get3A_239 = arith.index_cast %get3A_238 : i32 to index
      %get3A_240 = arith.constant 32 : index
      %get3A_241 = tpu.vector_load %arg9[%get3A_239, %get3A_240] {strides = array<i32>} : memref<16x256xf32, #tpu.memory_space<vmem>>, vector<16xf32>,
      %add3A_242 = arith.addf %add3A_237, %get3A_241 : vector<16xf32>
      %get3A_243 = arith.constant 8 : i32
      %get3A_244 = arith.index_cast %get3A_243 : i32 to index
      %get3A_245 = arith.constant 32 : index
      %get3A_246 = tpu.vector_load %arg9[%get3A_244, %get3A_245] {strides = array<i32>} : memref<16x256xf32, #tpu.memory_space<vmem>>, vector<16xf32>,
      %add3A_247 = arith.addf %add3A_242, %get3A_246 : vector<16xf32>
      %get3A_248 = arith.constant 9 : i32
      %get3A_249 = arith.index_cast %get3A_248 : i32 to index
      %get3A_250 = arith.constant 32 : index
      %get3A_251 = tpu.vector_load %arg9[%get3A_249, %get3A_250] {strides = array<i32>} : memref<16x256xf32, #tpu.memory_space<vmem>>, vector<16xf32>,
      %add3A_252 = arith.addf %add3A_247, %get3A_251 : vector<16xf32>
      %get3A_253 = arith.constant 10 : i32
      %get3A_254 = arith.index_cast %get3A_253 : i32 to index
      %get3A_255 = arith.constant 32 : index
      %get3A_256 = tpu.vector_load %arg9[%get3A_254, %get3A_255] {strides = array<i32>} : memref<16x256xf32, #tpu.memory_space<vmem>>, vector<16xf32>,
      %add3A_257 = arith.addf %add3A_252, %get3A_256 : vector<16xf32>
      %get3A_258 = arith.constant 11 : i32
      %get3A_259 = arith.index_cast %get3A_258 : i32 to index
      %get3A_260 = arith.constant 32 : index
      %get3A_261 = tpu.vector_load %arg9[%get3A_259, %get3A_260] {strides = array<i32>} : memref<16x256xf32, #tpu.memory_space<vmem>>, vector<16xf32>,
      %add3A_262 = arith.addf %add3A_257, %get3A_261 : vector<16xf32>
      %get3A_263 = arith.constant 12 : i32
      %get3A_264 = arith.index_cast %get3A_263 : i32 to index
      %get3A_265 = arith.constant 32 : index
      %get3A_266 = tpu.vector_load %arg9[%get3A_264, %get3A_265] {strides = array<i32>} : memref<16x256xf32, #tpu.memory_space<vmem>>, vector<16xf32>,
      %add3A_267 = arith.addf %add3A_262, %get3A_266 : vector<16xf32>
      %get3A_268 = arith.constant 13 : i32
      %get3A_269 = arith.index_cast %get3A_268 : i32 to index
      %get3A_270 = arith.constant 32 : index
      %get3A_271 = tpu.vector_load %arg9[%get3A_269, %get3A_270] {strides = array<i32>} : memref<16x256xf32, #tpu.memory_space<vmem>>, vector<16xf32>,
      %add3A_272 = arith.addf %add3A_267, %get3A_271 : vector<16xf32>
      %get3A_273 = arith.constant 14 : i32
      %get3A_274 = arith.index_cast %get3A_273 : i32 to index
      %get3A_275 = arith.constant 32 : index
      %get3A_276 = tpu.vector_load %arg9[%get3A_274, %get3A_275] {strides = array<i32>} : memref<16x256xf32, #tpu.memory_space<vmem>>, vector<16xf32>,
      %add3A_277 = arith.addf %add3A_272, %get3A_276 : vector<16xf32>
      %get3A_278 = arith.constant 15 : i32
      %get3A_279 = arith.index_cast %get3A_278 : i32 to index
      %get3A_280 = arith.constant 32 : index
      %get3A_281 = tpu.vector_load %arg9[%get3A_279, %get3A_280] {strides = array<i32>} : memref<16x256xf32, #tpu.memory_space<vmem>>, vector<16xf32>,
      %add3A_282 = arith.addf %add3A_277, %get3A_281 : vector<16xf32>
      %get3A_283 = arith.constant 0 : i32
      %get3A_284 = arith.index_cast %get3A_283 : i32 to index
      %get3A_285 = arith.constant 48 : index
      %get3A_286 = tpu.vector_load %arg9[%get3A_284, %get3A_285] {strides = array<i32>} : memref<16x256xf32, #tpu.memory_space<vmem>>, vector<16xf32>,
      %add3A_287 = arith.addf %broadcast_in_dim3A_0, %get3A_286 : vector<16xf32>
      %get3A_288 = arith.constant 1 : i32
      %get3A_289 = arith.index_cast %get3A_288 : i32 to index
      %get3A_290 = arith.constant 48 : index
      %get3A_291 = tpu.vector_load %arg9[%get3A_289, %get3A_290] {strides = array<i32>} : memref<16x256xf32, #tpu.memory_space<vmem>>, vector<16xf32>,
      %add3A_292 = arith.addf %add3A_287, %get3A_291 : vector<16xf32>
      %get3A_293 = arith.constant 2 : i32
      %get3A_294 = arith.index_cast %get3A_293 : i32 to index
      %get3A_295 = arith.constant 48 : index
      %get3A_296 = tpu.vector_load %arg9[%get3A_294, %get3A_295] {strides = array<i32>} : memref<16x256xf32, #tpu.memory_space<vmem>>, vector<16xf32>,
      %add3A_297 = arith.addf %add3A_292, %get3A_296 : vector<16xf32>
      %get3A_298 = arith.constant 3 : i32
      %get3A_299 = arith.index_cast %get3A_298 : i32 to index
      %get3A_300 = arith.constant 48 : index
      %get3A_301 = tpu.vector_load %arg9[%get3A_299, %get3A_300] {strides = array<i32>} : memref<16x256xf32, #tpu.memory_space<vmem>>, vector<16xf32>,
      %add3A_302 = arith.addf %add3A_297, %get3A_301 : vector<16xf32>
      %get3A_303 = arith.constant 4 : i32
      %get3A_304 = arith.index_cast %get3A_303 : i32 to index
      %get3A_305 = arith.constant 48 : index
      %get3A_306 = tpu.vector_load %arg9[%get3A_304, %get3A_305] {strides = array<i32>} : memref<16x256xf32, #tpu.memory_space<vmem>>, vector<16xf32>,
      %add3A_307 = arith.addf %add3A_302, %get3A_306 : vector<16xf32>
      %get3A_308 = arith.constant 5 : i32
      %get3A_309 = arith.index_cast %get3A_308 : i32 to index
      %get3A_310 = arith.constant 48 : index
      %get3A_311 = tpu.vector_load %arg9[%get3A_309, %get3A_310] {strides = array<i32>} : memref<16x256xf32, #tpu.memory_space<vmem>>, vector<16xf32>,
      %add3A_312 = arith.addf %add3A_307, %get3A_311 : vector<16xf32>
      %get3A_313 = arith.constant 6 : i32
      %get3A_314 = arith.index_cast %get3A_313 : i32 to index
      %get3A_315 = arith.constant 48 : index
      %get3A_316 = tpu.vector_load %arg9[%get3A_314, %get3A_315] {strides = array<i32>} : memref<16x256xf32, #tpu.memory_space<vmem>>, vector<16xf32>,
      %add3A_317 = arith.addf %add3A_312, %get3A_316 : vector<16xf32>
      %get3A_318 = arith.constant 7 : i32
      %get3A_319 = arith.index_cast %get3A_318 : i32 to index
      %get3A_320 = arith.constant 48 : index
      %get3A_321 = tpu.vector_load %arg9[%get3A_319, %get3A_320] {strides = array<i32>} : memref<16x256xf32, #tpu.memory_space<vmem>>, vector<16xf32>,
      %add3A_322 = arith.addf %add3A_317, %get3A_321 : vector<16xf32>
      %get3A_323 = arith.constant 8 : i32
      %get3A_324 = arith.index_cast %get3A_323 : i32 to index
      %get3A_325 = arith.constant 48 : index
      %get3A_326 = tpu.vector_load %arg9[%get3A_324, %get3A_325] {strides = array<i32>} : memref<16x256xf32, #tpu.memory_space<vmem>>, vector<16xf32>,
      %add3A_327 = arith.addf %add3A_322, %get3A_326 : vector<16xf32>
      %get3A_328 = arith.constant 9 : i32
      %get3A_329 = arith.index_cast %get3A_328 : i32 to index
      %get3A_330 = arith.constant 48 : index
      %get3A_331 = tpu.vector_load %arg9[%get3A_329, %get3A_330] {strides = array<i32>} : memref<16x256xf32, #tpu.memory_space<vmem>>, vector<16xf32>,
      %add3A_332 = arith.addf %add3A_327, %get3A_331 : vector<16xf32>
      %get3A_333 = arith.constant 10 : i32
      %get3A_334 = arith.index_cast %get3A_333 : i32 to index
      %get3A_335 = arith.constant 48 : index
      %get3A_336 = tpu.vector_load %arg9[%get3A_334, %get3A_335] {strides = array<i32>} : memref<16x256xf32, #tpu.memory_space<vmem>>, vector<16xf32>,
      %add3A_337 = arith.addf %add3A_332, %get3A_336 : vector<16xf32>
      %get3A_338 = arith.constant 11 : i32
      %get3A_339 = arith.index_cast %get3A_338 : i32 to index
      %get3A_340 = arith.constant 48 : index
      %get3A_341 = tpu.vector_load %arg9[%get3A_339, %get3A_340] {strides = array<i32>} : memref<16x256xf32, #tpu.memory_space<vmem>>, vector<16xf32>,
      %add3A_342 = arith.addf %add3A_337, %get3A_341 : vector<16xf32>
      %get3A_343 = arith.constant 12 : i32
      %get3A_344 = arith.index_cast %get3A_343 : i32 to index
      %get3A_345 = arith.constant 48 : index
      %get3A_346 = tpu.vector_load %arg9[%get3A_344, %get3A_345] {strides = array<i32>} : memref<16x256xf32, #tpu.memory_space<vmem>>, vector<16xf32>,
      %add3A_347 = arith.addf %add3A_342, %get3A_346 : vector<16xf32>
      %get3A_348 = arith.constant 13 : i32
      %get3A_349 = arith.index_cast %get3A_348 : i32 to index
      %get3A_350 = arith.constant 48 : index
      %get3A_351 = tpu.vector_load %arg9[%get3A_349, %get3A_350] {strides = array<i32>} : memref<16x256xf32, #tpu.memory_space<vmem>>, vector<16xf32>,
      %add3A_352 = arith.addf %add3A_347, %get3A_351 : vector<16xf32>
      %get3A_353 = arith.constant 14 : i32
      %get3A_354 = arith.index_cast %get3A_353 : i32 to index
      %get3A_355 = arith.constant 48 : index
      %get3A_356 = tpu.vector_load %arg9[%get3A_354, %get3A_355] {strides = array<i32>} : memref<16x256xf32, #tpu.memory_space<vmem>>, vector<16xf32>,
      %add3A_357 = arith.addf %add3A_352, %get3A_356 : vector<16xf32>
      %get3A_358 = arith.constant 15 : i32
      %get3A_359 = arith.index_cast %get3A_358 : i32 to index
      %get3A_360 = arith.constant 48 : index
      %get3A_361 = tpu.vector_load %arg9[%get3A_359, %get3A_360] {strides = array<i32>} : memref<16x256xf32, #tpu.memory_space<vmem>>, vector<16xf32>,
      %add3A_362 = arith.addf %add3A_357, %get3A_361 : vector<16xf32>
      %get3A_363 = arith.constant 0 : i32
      %get3A_364 = arith.index_cast %get3A_363 : i32 to index
      %get3A_365 = arith.constant 64 : index
      %get3A_366 = tpu.vector_load %arg9[%get3A_364, %get3A_365] {strides = array<i32>} : memref<16x256xf32, #tpu.memory_space<vmem>>, vector<16xf32>,
      %add3A_367 = arith.addf %broadcast_in_dim3A_0, %get3A_366 : vector<16xf32>
      %get3A_368 = arith.constant 1 : i32
      %get3A_369 = arith.index_cast %get3A_368 : i32 to index
      %get3A_370 = arith.constant 64 : index
      %get3A_371 = tpu.vector_load %arg9[%get3A_369, %get3A_370] {strides = array<i32>} : memref<16x256xf32, #tpu.memory_space<vmem>>, vector<16xf32>,
      %add3A_372 = arith.addf %add3A_367, %get3A_371 : vector<16xf32>
      %get3A_373 = arith.constant 2 : i32
      %get3A_374 = arith.index_cast %get3A_373 : i32 to index
      %get3A_375 = arith.constant 64 : index
      %get3A_376 = tpu.vector_load %arg9[%get3A_374, %get3A_375] {strides = array<i32>} : memref<16x256xf32, #tpu.memory_space<vmem>>, vector<16xf32>,
      %add3A_377 = arith.addf %add3A_372, %get3A_376 : vector<16xf32>
      %get3A_378 = arith.constant 3 : i32
      %get3A_379 = arith.index_cast %get3A_378 : i32 to index
      %get3A_380 = arith.constant 64 : index
      %get3A_381 = tpu.vector_load %arg9[%get3A_379, %get3A_380] {strides = array<i32>} : memref<16x256xf32, #tpu.memory_space<vmem>>, vector<16xf32>,
      %add3A_382 = arith.addf %add3A_377, %get3A_381 : vector<16xf32>
      %get3A_383 = arith.constant 4 : i32
      %get3A_384 = arith.index_cast %get3A_383 : i32 to index
      %get3A_385 = arith.constant 64 : index
      %get3A_386 = tpu.vector_load %arg9[%get3A_384, %get3A_385] {strides = array<i32>} : memref<16x256xf32, #tpu.memory_space<vmem>>, vector<16xf32>,
      %add3A_387 = arith.addf %add3A_382, %get3A_386 : vector<16xf32>
      %get3A_388 = arith.constant 5 : i32
      %get3A_389 = arith.index_cast %get3A_388 : i32 to index
      %get3A_390 = arith.constant 64 : index
      %get3A_391 = tpu.vector_load %arg9[%get3A_389, %get3A_390] {strides = array<i32>} : memref<16x256xf32, #tpu.memory_space<vmem>>, vector<16xf32>,
      %add3A_392 = arith.addf %add3A_387, %get3A_391 : vector<16xf32>
      %get3A_393 = arith.constant 6 : i32
      %get3A_394 = arith.index_cast %get3A_393 : i32 to index
      %get3A_395 = arith.constant 64 : index
      %get3A_396 = tpu.vector_load %arg9[%get3A_394, %get3A_395] {strides = array<i32>} : memref<16x256xf32, #tpu.memory_space<vmem>>, vector<16xf32>,
      %add3A_397 = arith.addf %add3A_392, %get3A_396 : vector<16xf32>
      %get3A_398 = arith.constant 7 : i32
      %get3A_399 = arith.index_cast %get3A_398 : i32 to index
      %get3A_400 = arith.constant 64 : index
      %get3A_401 = tpu.vector_load %arg9[%get3A_399, %get3A_400] {strides = array<i32>} : memref<16x256xf32, #tpu.memory_space<vmem>>, vector<16xf32>,
      %add3A_402 = arith.addf %add3A_397, %get3A_401 : vector<16xf32>
      %get3A_403 = arith.constant 8 : i32
      %get3A_404 = arith.index_cast %get3A_403 : i32 to index
      %get3A_405 = arith.constant 64 : index
      %get3A_406 = tpu.vector_load %arg9[%get3A_404, %get3A_405] {strides = array<i32>} : memref<16x256xf32, #tpu.memory_space<vmem>>, vector<16xf32>,
      %add3A_407 = arith.addf %add3A_402, %get3A_406 : vector<16xf32>
      %get3A_408 = arith.constant 9 : i32
      %get3A_409 = arith.index_cast %get3A_408 : i32 to index
      %get3A_410 = arith.constant 64 : index
      %get3A_411 = tpu.vector_load %arg9[%get3A_409, %get3A_410] {strides = array<i32>} : memref<16x256xf32, #tpu.memory_space<vmem>>, vector<16xf32>,
      %add3A_412 = arith.addf %add3A_407, %get3A_411 : vector<16xf32>
      %get3A_413 = arith.constant 10 : i32
      %get3A_414 = arith.index_cast %get3A_413 : i32 to index
      %get3A_415 = arith.constant 64 : index
      %get3A_416 = tpu.vector_load %arg9[%get3A_414, %get3A_415] {strides = array<i32>} : memref<16x256xf32, #tpu.memory_space<vmem>>, vector<16xf32>,
      %add3A_417 = arith.addf %add3A_412, %get3A_416 : vector<16xf32>
      %get3A_418 = arith.constant 11 : i32
      %get3A_419 = arith.index_cast %get3A_418 : i32 to index
      %get3A_420 = arith.constant 64 : index
      %get3A_421 = tpu.vector_load %arg9[%get3A_419, %get3A_420] {strides = array<i32>} : memref<16x256xf32, #tpu.memory_space<vmem>>, vector<16xf32>,
      %add3A_422 = arith.addf %add3A_417, %get3A_421 : vector<16xf32>
      %get3A_423 = arith.constant 12 : i32
      %get3A_424 = arith.index_cast %get3A_423 : i32 to index
      %get3A_425 = arith.constant 64 : index
      %get3A_426 = tpu.vector_load %arg9[%get3A_424, %get3A_425] {strides = array<i32>} : memref<16x256xf32, #tpu.memory_space<vmem>>, vector<16xf32>,
      %add3A_427 = arith.addf %add3A_422, %get3A_426 : vector<16xf32>
      %get3A_428 = arith.constant 13 : i32
      %get3A_429 = arith.index_cast %get3A_428 : i32 to index
      %get3A_430 = arith.constant 64 : index
      %get3A_431 = tpu.vector_load %arg9[%get3A_429, %get3A_430] {strides = array<i32>} : memref<16x256xf32, #tpu.memory_space<vmem>>, vector<16xf32>,
      %add3A_432 = arith.addf %add3A_427, %get3A_431 : vector<16xf32>
      %get3A_433 = arith.constant 14 : i32
      %get3A_434 = arith.index_cast %get3A_433 : i32 to index
      %get3A_435 = arith.constant 64 : index
      %get3A_436 = tpu.vector_load %arg9[%get3A_434, %get3A_435] {strides = array<i32>} : memref<16x256xf32, #tpu.memory_space<vmem>>, vector<16xf32>,
      %add3A_437 = arith.addf %add3A_432, %get3A_436 : vector<16xf32>
      %get3A_438 = arith.constant 15 : i32
      %get3A_439 = arith.index_cast %get3A_438 : i32 to index
      %get3A_440 = arith.constant 64 : index
      %get3A_441 = tpu.vector_load %arg9[%get3A_439, %get3A_440] {strides = array<i32>} : memref<16x256xf32, #tpu.memory_space<vmem>>, vector<16xf32>,
      %add3A_442 = arith.addf %add3A_437, %get3A_441 : vector<16xf32>
      %get3A_443 = arith.constant 0 : i32
      %get3A_444 = arith.index_cast %get3A_443 : i32 to index
      %get3A_445 = arith.constant 80 : index
      %get3A_446 = tpu.vector_load %arg9[%get3A_444, %get3A_445] {strides = array<i32>} : memref<16x256xf32, #tpu.memory_space<vmem>>, vector<16xf32>,
      %add3A_447 = arith.addf %broadcast_in_dim3A_0, %get3A_446 : vector<16xf32>
      %get3A_448 = arith.constant 1 : i32
      %get3A_449 = arith.index_cast %get3A_448 : i32 to index
      %get3A_450 = arith.constant 80 : index
      %get3A_451 = tpu.vector_load %arg9[%get3A_449, %get3A_450] {strides = array<i32>} : memref<16x256xf32, #tpu.memory_space<vmem>>, vector<16xf32>,
      %add3A_452 = arith.addf %add3A_447, %get3A_451 : vector<16xf32>
      %get3A_453 = arith.constant 2 : i32
      %get3A_454 = arith.index_cast %get3A_453 : i32 to index
      %get3A_455 = arith.constant 80 : index
      %get3A_456 = tpu.vector_load %arg9[%get3A_454, %get3A_455] {strides = array<i32>} : memref<16x256xf32, #tpu.memory_space<vmem>>, vector<16xf32>,
      %add3A_457 = arith.addf %add3A_452, %get3A_456 : vector<16xf32>
      %get3A_458 = arith.constant 3 : i32
      %get3A_459 = arith.index_cast %get3A_458 : i32 to index
      %get3A_460 = arith.constant 80 : index
      %get3A_461 = tpu.vector_load %arg9[%get3A_459, %get3A_460] {strides = array<i32>} : memref<16x256xf32, #tpu.memory_space<vmem>>, vector<16xf32>,
      %add3A_462 = arith.addf %add3A_457, %get3A_461 : vector<16xf32>
      %get3A_463 = arith.constant 4 : i32
      %get3A_464 = arith.index_cast %get3A_463 : i32 to index
      %get3A_465 = arith.constant 80 : index
      %get3A_466 = tpu.vector_load %arg9[%get3A_464, %get3A_465] {strides = array<i32>} : memref<16x256xf32, #tpu.memory_space<vmem>>, vector<16xf32>,
      %add3A_467 = arith.addf %add3A_462, %get3A_466 : vector<16xf32>
      %get3A_468 = arith.constant 5 : i32
      %get3A_469 = arith.index_cast %get3A_468 : i32 to index
      %get3A_470 = arith.constant 80 : index
      %get3A_471 = tpu.vector_load %arg9[%get3A_469, %get3A_470] {strides = array<i32>} : memref<16x256xf32, #tpu.memory_space<vmem>>, vector<16xf32>,
      %add3A_472 = arith.addf %add3A_467, %get3A_471 : vector<16xf32>
      %get3A_473 = arith.constant 6 : i32
      %get3A_474 = arith.index_cast %get3A_473 : i32 to index
      %get3A_475 = arith.constant 80 : index
      %get3A_476 = tpu.vector_load %arg9[%get3A_474, %get3A_475] {strides = array<i32>} : memref<16x256xf32, #tpu.memory_space<vmem>>, vector<16xf32>,
      %add3A_477 = arith.addf %add3A_472, %get3A_476 : vector<16xf32>
      %get3A_478 = arith.constant 7 : i32
      %get3A_479 = arith.index_cast %get3A_478 : i32 to index
      %get3A_480 = arith.constant 80 : index
      %get3A_481 = tpu.vector_load %arg9[%get3A_479, %get3A_480] {strides = array<i32>} : memref<16x256xf32, #tpu.memory_space<vmem>>, vector<16xf32>,
      %add3A_482 = arith.addf %add3A_477, %get3A_481 : vector<16xf32>
      %get3A_483 = arith.constant 8 : i32
      %get3A_484 = arith.index_cast %get3A_483 : i32 to index
      %get3A_485 = arith.constant 80 : index
      %get3A_486 = tpu.vector_load %arg9[%get3A_484, %get3A_485] {strides = array<i32>} : memref<16x256xf32, #tpu.memory_space<vmem>>, vector<16xf32>,
      %add3A_487 = arith.addf %add3A_482, %get3A_486 : vector<16xf32>
      %get3A_488 = arith.constant 9 : i32
      %get3A_489 = arith.index_cast %get3A_488 : i32 to index
      %get3A_490 = arith.constant 80 : index
      %get3A_491 = tpu.vector_load %arg9[%get3A_489, %get3A_490] {strides = array<i32>} : memref<16x256xf32, #tpu.memory_space<vmem>>, vector<16xf32>,
      %add3A_492 = arith.addf %add3A_487, %get3A_491 : vector<16xf32>
      %get3A_493 = arith.constant 10 : i32
      %get3A_494 = arith.index_cast %get3A_493 : i32 to index
      %get3A_495 = arith.constant 80 : index
      %get3A_496 = tpu.vector_load %arg9[%get3A_494, %get3A_495] {strides = array<i32>} : memref<16x256xf32, #tpu.memory_space<vmem>>, vector<16xf32>,
      %add3A_497 = arith.addf %add3A_492, %get3A_496 : vector<16xf32>
      %get3A_498 = arith.constant 11 : i32
      %get3A_499 = arith.index_cast %get3A_498 : i32 to index
      %get3A_500 = arith.constant 80 : index
      %get3A_501 = tpu.vector_load %arg9[%get3A_499, %get3A_500] {strides = array<i32>} : memref<16x256xf32, #tpu.memory_space<vmem>>, vector<16xf32>,
      %add3A_502 = arith.addf %add3A_497, %get3A_501 : vector<16xf32>
      %get3A_503 = arith.constant 12 : i32
      %get3A_504 = arith.index_cast %get3A_503 : i32 to index
      %get3A_505 = arith.constant 80 : index
      %get3A_506 = tpu.vector_load %arg9[%get3A_504, %get3A_505] {strides = array<i32>} : memref<16x256xf32, #tpu.memory_space<vmem>>, vector<16xf32>,
      %add3A_507 = arith.addf %add3A_502, %get3A_506 : vector<16xf32>
      %get3A_508 = arith.constant 13 : i32
      %get3A_509 = arith.index_cast %get3A_508 : i32 to index
      %get3A_510 = arith.constant 80 : index
      %get3A_511 = tpu.vector_load %arg9[%get3A_509, %get3A_510] {strides = array<i32>} : memref<16x256xf32, #tpu.memory_space<vmem>>, vector<16xf32>,
      %add3A_512 = arith.addf %add3A_507, %get3A_511 : vector<16xf32>
      %get3A_513 = arith.constant 14 : i32
      %get3A_514 = arith.index_cast %get3A_513 : i32 to index
      %get3A_515 = arith.constant 80 : index
      %get3A_516 = tpu.vector_load %arg9[%get3A_514, %get3A_515] {strides = array<i32>} : memref<16x256xf32, #tpu.memory_space<vmem>>, vector<16xf32>,
      %add3A_517 = arith.addf %add3A_512, %get3A_516 : vector<16xf32>
      %get3A_518 = arith.constant 15 : i32
      %get3A_519 = arith.index_cast %get3A_518 : i32 to index
      %get3A_520 = arith.constant 80 : index
      %get3A_521 = tpu.vector_load %arg9[%get3A_519, %get3A_520] {strides = array<i32>} : memref<16x256xf32, #tpu.memory_space<vmem>>, vector<16xf32>,
      %add3A_522 = arith.addf %add3A_517, %get3A_521 : vector<16xf32>
      %get3A_523 = arith.constant 0 : i32
      %get3A_524 = arith.index_cast %get3A_523 : i32 to index
      %get3A_525 = arith.constant 96 : index
      %get3A_526 = tpu.vector_load %arg9[%get3A_524, %get3A_525] {strides = array<i32>} : memref<16x256xf32, #tpu.memory_space<vmem>>, vector<16xf32>,
      %add3A_527 = arith.addf %broadcast_in_dim3A_0, %get3A_526 : vector<16xf32>
      %get3A_528 = arith.constant 1 : i32
      %get3A_529 = arith.index_cast %get3A_528 : i32 to index
      %get3A_530 = arith.constant 96 : index
      %get3A_531 = tpu.vector_load %arg9[%get3A_529, %get3A_530] {strides = array<i32>} : memref<16x256xf32, #tpu.memory_space<vmem>>, vector<16xf32>,
      %add3A_532 = arith.addf %add3A_527, %get3A_531 : vector<16xf32>
      %get3A_533 = arith.constant 2 : i32
      %get3A_534 = arith.index_cast %get3A_533 : i32 to index
      %get3A_535 = arith.constant 96 : index
      %get3A_536 = tpu.vector_load %arg9[%get3A_534, %get3A_535] {strides = array<i32>} : memref<16x256xf32, #tpu.memory_space<vmem>>, vector<16xf32>,
      %add3A_537 = arith.addf %add3A_532, %get3A_536 : vector<16xf32>
      %get3A_538 = arith.constant 3 : i32
      %get3A_539 = arith.index_cast %get3A_538 : i32 to index
      %get3A_540 = arith.constant 96 : index
      %get3A_541 = tpu.vector_load %arg9[%get3A_539, %get3A_540] {strides = array<i32>} : memref<16x256xf32, #tpu.memory_space<vmem>>, vector<16xf32>,
      %add3A_542 = arith.addf %add3A_537, %get3A_541 : vector<16xf32>
      %get3A_543 = arith.constant 4 : i32
      %get3A_544 = arith.index_cast %get3A_543 : i32 to index
      %get3A_545 = arith.constant 96 : index
      %get3A_546 = tpu.vector_load %arg9[%get3A_544, %get3A_545] {strides = array<i32>} : memref<16x256xf32, #tpu.memory_space<vmem>>, vector<16xf32>,
      %add3A_547 = arith.addf %add3A_542, %get3A_546 : vector<16xf32>
      %get3A_548 = arith.constant 5 : i32
      %get3A_549 = arith.index_cast %get3A_548 : i32 to index
      %get3A_550 = arith.constant 96 : index
      %get3A_551 = tpu.vector_load %arg9[%get3A_549, %get3A_550] {strides = array<i32>} : memref<16x256xf32, #tpu.memory_space<vmem>>, vector<16xf32>,
      %add3A_552 = arith.addf %add3A_547, %get3A_551 : vector<16xf32>
      %get3A_553 = arith.constant 6 : i32
      %get3A_554 = arith.index_cast %get3A_553 : i32 to index
      %get3A_555 = arith.constant 96 : index
      %get3A_556 = tpu.vector_load %arg9[%get3A_554, %get3A_555] {strides = array<i32>} : memref<16x256xf32, #tpu.memory_space<vmem>>, vector<16xf32>,
      %add3A_557 = arith.addf %add3A_552, %get3A_556 : vector<16xf32>
      %get3A_558 = arith.constant 7 : i32
      %get3A_559 = arith.index_cast %get3A_558 : i32 to index
      %get3A_560 = arith.constant 96 : index
      %get3A_561 = tpu.vector_load %arg9[%get3A_559, %get3A_560] {strides = array<i32>} : memref<16x256xf32, #tpu.memory_space<vmem>>, vector<16xf32>,
      %add3A_562 = arith.addf %add3A_557, %get3A_561 : vector<16xf32>
      %get3A_563 = arith.constant 8 : i32
      %get3A_564 = arith.index_cast %get3A_563 : i32 to index
      %get3A_565 = arith.constant 96 : index
      %get3A_566 = tpu.vector_load %arg9[%get3A_564, %get3A_565] {strides = array<i32>} : memref<16x256xf32, #tpu.memory_space<vmem>>, vector<16xf32>,
      %add3A_567 = arith.addf %add3A_562, %get3A_566 : vector<16xf32>
      %get3A_568 = arith.constant 9 : i32
      %get3A_569 = arith.index_cast %get3A_568 : i32 to index
      %get3A_570 = arith.constant 96 : index
      %get3A_571 = tpu.vector_load %arg9[%get3A_569, %get3A_570] {strides = array<i32>} : memref<16x256xf32, #tpu.memory_space<vmem>>, vector<16xf32>,
      %add3A_572 = arith.addf %add3A_567, %get3A_571 : vector<16xf32>
      %get3A_573 = arith.constant 10 : i32
      %get3A_574 = arith.index_cast %get3A_573 : i32 to index
      %get3A_575 = arith.constant 96 : index
      %get3A_576 = tpu.vector_load %arg9[%get3A_574, %get3A_575] {strides = array<i32>} : memref<16x256xf32, #tpu.memory_space<vmem>>, vector<16xf32>,
      %add3A_577 = arith.addf %add3A_572, %get3A_576 : vector<16xf32>
      %get3A_578 = arith.constant 11 : i32
      %get3A_579 = arith.index_cast %get3A_578 : i32 to index
      %get3A_580 = arith.constant 96 : index
      %get3A_581 = tpu.vector_load %arg9[%get3A_579, %get3A_580] {strides = array<i32>} : memref<16x256xf32, #tpu.memory_space<vmem>>, vector<16xf32>,
      %add3A_582 = arith.addf %add3A_577, %get3A_581 : vector<16xf32>
      %get3A_583 = arith.constant 12 : i32
      %get3A_584 = arith.index_cast %get3A_583 : i32 to index
      %get3A_585 = arith.constant 96 : index
      %get3A_586 = tpu.vector_load %arg9[%get3A_584, %get3A_585] {strides = array<i32>} : memref<16x256xf32, #tpu.memory_space<vmem>>, vector<16xf32>,
      %add3A_587 = arith.addf %add3A_582, %get3A_586 : vector<16xf32>
      %get3A_588 = arith.constant 13 : i32
      %get3A_589 = arith.index_cast %get3A_588 : i32 to index
      %get3A_590 = arith.constant 96 : index
      %get3A_591 = tpu.vector_load %arg9[%get3A_589, %get3A_590] {strides = array<i32>} : memref<16x256xf32, #tpu.memory_space<vmem>>, vector<16xf32>,
      %add3A_592 = arith.addf %add3A_587, %get3A_591 : vector<16xf32>
      %get3A_593 = arith.constant 14 : i32
      %get3A_594 = arith.index_cast %get3A_593 : i32 to index
      %get3A_595 = arith.constant 96 : index
      %get3A_596 = tpu.vector_load %arg9[%get3A_594, %get3A_595] {strides = array<i32>} : memref<16x256xf32, #tpu.memory_space<vmem>>, vector<16xf32>,
      %add3A_597 = arith.addf %add3A_592, %get3A_596 : vector<16xf32>
      %get3A_598 = arith.constant 15 : i32
      %get3A_599 = arith.index_cast %get3A_598 : i32 to index
      %get3A_600 = arith.constant 96 : index
      %get3A_601 = tpu.vector_load %arg9[%get3A_599, %get3A_600] {strides = array<i32>} : memref<16x256xf32, #tpu.memory_space<vmem>>, vector<16xf32>,
      %add3A_602 = arith.addf %add3A_597, %get3A_601 : vector<16xf32>
      %add3A_603 = arith.addf %broadcast_in_dim3A_0, %add3A_122 : vector<16xf32>
      %eq3A_604 = arith.constant 0 : i32
      %eq3A_605 = vector.broadcast %eq3A_604 : i32 to vector<16xi32>
      %eq3A_606 = arith.cmpi eq, %iota3A, %eq3A_605 : vector<16xi32>
      %jit3A = arith.constant 0.000000e+00 : f32
      %broadcast_in_dim3A_607 = vector.broadcast %jit3A : f32 to vector<16xf32>
      %select_n3A = arith.select %eq3A_606, %add3A_122, %broadcast_in_dim3A_607 : vector<16xi1>, vector<16xf32>
      %add3A_608 = arith.addf %broadcast_in_dim3A_0, %select_n3A : vector<16xf32>
      %reduce_sum3A = arith.constant true
      %reduce_sum3A_609 = vector.broadcast %reduce_sum3A : i1 to vector<16xi1>
      %reduce_sum3A_610 = tpu.scan <sum>, %add3A_122 masked %reduce_sum3A_609 : vector<16xf32>, vector<16xi1> -> vector<16xf32>
      %reduce_sum3A_611 = vector.extract %reduce_sum3A_610[15] : f32 from vector<16xf32>
      %jit3A_612 = arith.constant 0.000000e+00 : f32
      %broadcast_in_dim3A_613 = vector.broadcast %reduce_sum3A_611 : f32 to vector<16xf32>
      %broadcast_in_dim3A_614 = vector.broadcast %jit3A_612 : f32 to vector<16xf32>
      %select_n3A_615 = arith.select %eq3A_606, %broadcast_in_dim3A_613, %broadcast_in_dim3A_614 : vector<16xi1>, vector<16xf32>
      %add3A_616 = arith.addf %broadcast_in_dim3A_0, %select_n3A_615 : vector<16xf32>
      %add3A_617 = arith.addf %add3A_603, %add3A_202 : vector<16xf32>
      %eq3A_618 = arith.constant 1 : i32
      %eq3A_619 = vector.broadcast %eq3A_618 : i32 to vector<16xi32>
      %eq3A_620 = arith.cmpi eq, %iota3A, %eq3A_619 : vector<16xi32>
      %jit3A_621 = arith.constant 0.000000e+00 : f32
      %broadcast_in_dim3A_622 = vector.broadcast %jit3A_621 : f32 to vector<16xf32>
      %select_n3A_623 = arith.select %eq3A_620, %add3A_202, %broadcast_in_dim3A_622 : vector<16xi1>, vector<16xf32>
      %add3A_624 = arith.addf %add3A_608, %select_n3A_623 : vector<16xf32>
      %reduce_sum3A_625 = arith.constant true
      %reduce_sum3A_626 = vector.broadcast %reduce_sum3A_625 : i1 to vector<16xi1>
      %reduce_sum3A_627 = tpu.scan <sum>, %add3A_202 masked %reduce_sum3A_626 : vector<16xf32>, vector<16xi1> -> vector<16xf32>
      %reduce_sum3A_628 = vector.extract %reduce_sum3A_627[15] : f32 from vector<16xf32>
      %jit3A_629 = arith.constant 0.000000e+00 : f32
      %broadcast_in_dim3A_630 = vector.broadcast %reduce_sum3A_628 : f32 to vector<16xf32>
      %broadcast_in_dim3A_631 = vector.broadcast %jit3A_629 : f32 to vector<16xf32>
      %select_n3A_632 = arith.select %eq3A_620, %broadcast_in_dim3A_630, %broadcast_in_dim3A_631 : vector<16xi1>, vector<16xf32>
      %add3A_633 = arith.addf %add3A_616, %select_n3A_632 : vector<16xf32>
      %add3A_634 = arith.addf %add3A_617, %add3A_282 : vector<16xf32>
      %eq3A_635 = arith.constant 2 : i32
      %eq3A_636 = vector.broadcast %eq3A_635 : i32 to vector<16xi32>
      %eq3A_637 = arith.cmpi eq, %iota3A, %eq3A_636 : vector<16xi32>
      %jit3A_638 = arith.constant 0.000000e+00 : f32
      %broadcast_in_dim3A_639 = vector.broadcast %jit3A_638 : f32 to vector<16xf32>
      %select_n3A_640 = arith.select %eq3A_637, %add3A_282, %broadcast_in_dim3A_639 : vector<16xi1>, vector<16xf32>
      %add3A_641 = arith.addf %add3A_624, %select_n3A_640 : vector<16xf32>
      %reduce_sum3A_642 = arith.constant true
      %reduce_sum3A_643 = vector.broadcast %reduce_sum3A_642 : i1 to vector<16xi1>
      %reduce_sum3A_644 = tpu.scan <sum>, %add3A_282 masked %reduce_sum3A_643 : vector<16xf32>, vector<16xi1> -> vector<16xf32>
      %reduce_sum3A_645 = vector.extract %reduce_sum3A_644[15] : f32 from vector<16xf32>
      %jit3A_646 = arith.constant 0.000000e+00 : f32
      %broadcast_in_dim3A_647 = vector.broadcast %reduce_sum3A_645 : f32 to vector<16xf32>
      %broadcast_in_dim3A_648 = vector.broadcast %jit3A_646 : f32 to vector<16xf32>
      %select_n3A_649 = arith.select %eq3A_637, %broadcast_in_dim3A_647, %broadcast_in_dim3A_648 : vector<16xi1>, vector<16xf32>
      %add3A_650 = arith.addf %add3A_633, %select_n3A_649 : vector<16xf32>
      %add3A_651 = arith.addf %add3A_634, %add3A_362 : vector<16xf32>
      %eq3A_652 = arith.constant 3 : i32
      %eq3A_653 = vector.broadcast %eq3A_652 : i32 to vector<16xi32>
      %eq3A_654 = arith.cmpi eq, %iota3A, %eq3A_653 : vector<16xi32>
      %jit3A_655 = arith.constant 0.000000e+00 : f32
      %broadcast_in_dim3A_656 = vector.broadcast %jit3A_655 : f32 to vector<16xf32>
      %select_n3A_657 = arith.select %eq3A_654, %add3A_362, %broadcast_in_dim3A_656 : vector<16xi1>, vector<16xf32>
      %add3A_658 = arith.addf %add3A_641, %select_n3A_657 : vector<16xf32>
      %reduce_sum3A_659 = arith.constant true
      %reduce_sum3A_660 = vector.broadcast %reduce_sum3A_659 : i1 to vector<16xi1>
      %reduce_sum3A_661 = tpu.scan <sum>, %add3A_362 masked %reduce_sum3A_660 : vector<16xf32>, vector<16xi1> -> vector<16xf32>
      %reduce_sum3A_662 = vector.extract %reduce_sum3A_661[15] : f32 from vector<16xf32>
      %jit3A_663 = arith.constant 0.000000e+00 : f32
      %broadcast_in_dim3A_664 = vector.broadcast %reduce_sum3A_662 : f32 to vector<16xf32>
      %broadcast_in_dim3A_665 = vector.broadcast %jit3A_663 : f32 to vector<16xf32>
      %select_n3A_666 = arith.select %eq3A_654, %broadcast_in_dim3A_664, %broadcast_in_dim3A_665 : vector<16xi1>, vector<16xf32>
      %add3A_667 = arith.addf %add3A_650, %select_n3A_666 : vector<16xf32>
      %add3A_668 = arith.addf %add3A_651, %add3A_442 : vector<16xf32>
      %eq3A_669 = arith.constant 4 : i32
      %eq3A_670 = vector.broadcast %eq3A_669 : i32 to vector<16xi32>
      %eq3A_671 = arith.cmpi eq, %iota3A, %eq3A_670 : vector<16xi32>
      %jit3A_672 = arith.constant 0.000000e+00 : f32
      %broadcast_in_dim3A_673 = vector.broadcast %jit3A_672 : f32 to vector<16xf32>
      %select_n3A_674 = arith.select %eq3A_671, %add3A_442, %broadcast_in_dim3A_673 : vector<16xi1>, vector<16xf32>
      %add3A_675 = arith.addf %add3A_658, %select_n3A_674 : vector<16xf32>
      %reduce_sum3A_676 = arith.constant true
      %reduce_sum3A_677 = vector.broadcast %reduce_sum3A_676 : i1 to vector<16xi1>
      %reduce_sum3A_678 = tpu.scan <sum>, %add3A_442 masked %reduce_sum3A_677 : vector<16xf32>, vector<16xi1> -> vector<16xf32>
      %reduce_sum3A_679 = vector.extract %reduce_sum3A_678[15] : f32 from vector<16xf32>
      %jit3A_680 = arith.constant 0.000000e+00 : f32
      %broadcast_in_dim3A_681 = vector.broadcast %reduce_sum3A_679 : f32 to vector<16xf32>
      %broadcast_in_dim3A_682 = vector.broadcast %jit3A_680 : f32 to vector<16xf32>
      %select_n3A_683 = arith.select %eq3A_671, %broadcast_in_dim3A_681, %broadcast_in_dim3A_682 : vector<16xi1>, vector<16xf32>
      %add3A_684 = arith.addf %add3A_667, %select_n3A_683 : vector<16xf32>
      %add3A_685 = arith.addf %add3A_668, %add3A_522 : vector<16xf32>
      %eq3A_686 = arith.constant 5 : i32
      %eq3A_687 = vector.broadcast %eq3A_686 : i32 to vector<16xi32>
      %eq3A_688 = arith.cmpi eq, %iota3A, %eq3A_687 : vector<16xi32>
      %jit3A_689 = arith.constant 0.000000e+00 : f32
      %broadcast_in_dim3A_690 = vector.broadcast %jit3A_689 : f32 to vector<16xf32>
      %select_n3A_691 = arith.select %eq3A_688, %add3A_522, %broadcast_in_dim3A_690 : vector<16xi1>, vector<16xf32>
      %add3A_692 = arith.addf %add3A_675, %select_n3A_691 : vector<16xf32>
      %reduce_sum3A_693 = arith.constant true
      %reduce_sum3A_694 = vector.broadcast %reduce_sum3A_693 : i1 to vector<16xi1>
      %reduce_sum3A_695 = tpu.scan <sum>, %add3A_522 masked %reduce_sum3A_694 : vector<16xf32>, vector<16xi1> -> vector<16xf32>
      %reduce_sum3A_696 = vector.extract %reduce_sum3A_695[15] : f32 from vector<16xf32>
      %jit3A_697 = arith.constant 0.000000e+00 : f32
      %broadcast_in_dim3A_698 = vector.broadcast %reduce_sum3A_696 : f32 to vector<16xf32>
      %broadcast_in_dim3A_699 = vector.broadcast %jit3A_697 : f32 to vector<16xf32>
      %select_n3A_700 = arith.select %eq3A_688, %broadcast_in_dim3A_698, %broadcast_in_dim3A_699 : vector<16xi1>, vector<16xf32>
      %add3A_701 = arith.addf %add3A_684, %select_n3A_700 : vector<16xf32>
      %add3A_702 = arith.addf %add3A_685, %add3A_602 : vector<16xf32>
      %eq3A_703 = arith.constant 6 : i32
      %eq3A_704 = vector.broadcast %eq3A_703 : i32 to vector<16xi32>
      %eq3A_705 = arith.cmpi eq, %iota3A, %eq3A_704 : vector<16xi32>
      %jit3A_706 = arith.constant 0.000000e+00 : f32
      %broadcast_in_dim3A_707 = vector.broadcast %jit3A_706 : f32 to vector<16xf32>
      %select_n3A_708 = arith.select %eq3A_705, %add3A_602, %broadcast_in_dim3A_707 : vector<16xi1>, vector<16xf32>
      %add3A_709 = arith.addf %add3A_692, %select_n3A_708 : vector<16xf32>
      %reduce_sum3A_710 = arith.constant true
      %reduce_sum3A_711 = vector.broadcast %reduce_sum3A_710 : i1 to vector<16xi1>
      %reduce_sum3A_712 = tpu.scan <sum>, %add3A_602 masked %reduce_sum3A_711 : vector<16xf32>, vector<16xi1> -> vector<16xf32>
      %reduce_sum3A_713 = vector.extract %reduce_sum3A_712[15] : f32 from vector<16xf32>
      %jit3A_714 = arith.constant 0.000000e+00 : f32
      %broadcast_in_dim3A_715 = vector.broadcast %reduce_sum3A_713 : f32 to vector<16xf32>
      %broadcast_in_dim3A_716 = vector.broadcast %jit3A_714 : f32 to vector<16xf32>
      %select_n3A_717 = arith.select %eq3A_705, %broadcast_in_dim3A_715, %broadcast_in_dim3A_716 : vector<16xi1>, vector<16xf32>
      %add3A_718 = arith.addf %add3A_701, %select_n3A_717 : vector<16xf32>
      %reduce_sum3A_719 = arith.constant true
      %reduce_sum3A_720 = vector.broadcast %reduce_sum3A_719 : i1 to vector<16xi1>
      %reduce_sum3A_721 = tpu.scan <sum>, %add3A_718 masked %reduce_sum3A_720 : vector<16xf32>, vector<16xi1> -> vector<16xf32>
      %reduce_sum3A_722 = vector.extract %reduce_sum3A_721[15] : f32 from vector<16xf32>
      %add3A_723 = vector.broadcast %reduce_sum3A_722 : f32 to vector<16xf32>
      %add3A_724 = arith.addf %broadcast_in_dim3A_0, %add3A_723 : vector<16xf32>
      %div3A = arith.divf %add3A_718, %add3A_724 : vector<16xf32>
      %max3A = arith.constant 1.000000e+00 : f32
      %max3A_725 = vector.broadcast %max3A : f32 to vector<16xf32>
      %max3A_726 = arith.maximumf %add3A_718, %max3A_725 : vector<16xf32>
      %div3A_727 = arith.divf %add3A_709, %max3A_726 : vector<16xf32>
      %max3A_728 = arith.constant 1.000000e+00 : f32
      %max3A_729 = vector.broadcast %max3A_728 : f32 to vector<16xf32>
      %max3A_730 = arith.maximumf %add3A_702, %max3A_729 : vector<16xf32>
      %div3A_731 = arith.divf %add3A_709, %max3A_730 : vector<16xf32>
      %add3A_732 = arith.addf %div3A_731, %div3A_727 : vector<16xf32>
      %gt3A = arith.constant 0.000000e+00 : f32
      %gt3A_733 = vector.broadcast %gt3A : f32 to vector<16xf32>
      %gt3A_734 = arith.cmpf ogt, %add3A_732, %gt3A_733 : vector<16xf32>
      %mul3A_735 = arith.constant 2.000000e+00 : f32
      %mul3A_736 = vector.broadcast %mul3A_735 : f32 to vector<16xf32>
      %mul3A_737 = arith.mulf %mul3A_736, %div3A_731 : vector<16xf32>
      %mul3A_738 = arith.mulf %mul3A_737, %div3A_727 : vector<16xf32>
      %max3A_739 = arith.constant 1.000000e-30 : f32
      %max3A_740 = vector.broadcast %max3A_739 : f32 to vector<16xf32>
      %max3A_741 = arith.maximumf %add3A_732, %max3A_740 : vector<16xf32>
      %div3A_742 = arith.divf %mul3A_738, %max3A_741 : vector<16xf32>
      %jit3A_743 = arith.constant 0.000000e+00 : f32
      %broadcast_in_dim3A_744 = vector.broadcast %jit3A_743 : f32 to vector<16xf32>
      %select_n3A_745 = arith.select %gt3A_734, %div3A_742, %broadcast_in_dim3A_744 : vector<16xi1>, vector<16xf32>
      %reduce_sum3A_746 = arith.constant true
      %reduce_sum3A_747 = vector.broadcast %reduce_sum3A_746 : i1 to vector<16xi1>
      %reduce_sum3A_748 = tpu.scan <sum>, %select_n3A_745 masked %reduce_sum3A_747 : vector<16xf32>, vector<16xi1> -> vector<16xf32>
      %reduce_sum3A_749 = vector.extract %reduce_sum3A_748[15] : f32 from vector<16xf32>
      %add3A_750 = vector.broadcast %reduce_sum3A_749 : f32 to vector<16xf32>
      %add3A_751 = arith.addf %broadcast_in_dim3A_0, %add3A_750 : vector<16xf32>
      %reduce_sum3A_752 = arith.constant true
      %reduce_sum3A_753 = vector.broadcast %reduce_sum3A_752 : i1 to vector<16xi1>
      %reduce_sum3A_754 = tpu.scan <sum>, %div3A masked %reduce_sum3A_753 : vector<16xf32>, vector<16xi1> -> vector<16xf32>
      %reduce_sum3A_755 = vector.extract %reduce_sum3A_754[15] : f32 from vector<16xf32>
      %add3A_756 = vector.broadcast %reduce_sum3A_755 : f32 to vector<16xf32>
      %add3A_757 = arith.addf %broadcast_in_dim3A_0, %add3A_756 : vector<16xf32>
      %add3A_758 = arith.constant 7.000000e+00 : f32
      %add3A_759 = vector.broadcast %add3A_758 : f32 to vector<16xf32>
      %add3A_760 = arith.addf %broadcast_in_dim3A_0, %add3A_759 : vector<16xf32>
      %div3A_761 = arith.divf %add3A_751, %add3A_760 : vector<16xf32>
      %mul3A_762 = arith.mulf %div3A_761, %add3A_757 : vector<16xf32>
      %sub3A = arith.constant 1.000000e+00 : f32
      %sub3A_763 = vector.broadcast %sub3A : f32 to vector<16xf32>
      %sub3A_764 = arith.subf %sub3A_763, %mul3A_762 : vector<16xf32>
      %eq3A_765 = arith.constant 0.000000e+00 : f32
      %eq3A_766 = vector.broadcast %eq3A_765 : f32 to vector<16xf32>
      %eq3A_767 = arith.cmpf oeq, %add3A_702, %eq3A_766 : vector<16xf32>
      %lt3A = arith.constant 7 : i32
      %lt3A_768 = vector.broadcast %lt3A : i32 to vector<16xi32>
      %lt3A_769 = arith.cmpi slt, %iota3A, %lt3A_768 : vector<16xi32>
      %and3A = arith.andi %eq3A_767, %lt3A_769 : vector<16xi1>
      %all_reduce_population_count3A = tpu.all_reduce %and3A {dim = 0 : i64, kind = #tpu.reduction_kind<sum>} : vector<16xi1> -> vector<16xi32>
      %ne3A = arith.constant 0.000000e+00 : f32
      %ne3A_770 = vector.broadcast %ne3A : f32 to vector<16xf32>
      %ne3A_771 = arith.cmpf one, %add3A_702, %ne3A_770 : vector<16xf32>
      %all_reduce_ffs3A = tpu.all_reduce %ne3A_771 {dim = 0 : i64, kind = #tpu.reduction_kind<find_first_set>} : vector<16xi1> -> vector<16xi32>
      %eq3A_772 = arith.cmpi eq, %iota3A, %all_reduce_ffs3A : vector<16xi32>
      %jit3A_773 = arith.constant 0.000000e+00 : f32
      %broadcast_in_dim3A_774 = vector.broadcast %jit3A_773 : f32 to vector<16xf32>
      %select_n3A_775 = arith.select %eq3A_772, %div3A, %broadcast_in_dim3A_774 : vector<16xi1>, vector<16xf32>
      %reduce_sum3A_776 = arith.constant true
      %reduce_sum3A_777 = vector.broadcast %reduce_sum3A_776 : i1 to vector<16xi1>
      %reduce_sum3A_778 = tpu.scan <sum>, %select_n3A_775 masked %reduce_sum3A_777 : vector<16xf32>, vector<16xi1> -> vector<16xf32>
      %reduce_sum3A_779 = vector.extract %reduce_sum3A_778[15] : f32 from vector<16xf32>
      %add3A_780 = vector.broadcast %reduce_sum3A_779 : f32 to vector<16xf32>
      %add3A_781 = arith.addf %broadcast_in_dim3A_0, %add3A_780 : vector<16xf32>
      %gt3A_782 = arith.constant 5 : i32
      %gt3A_783 = vector.broadcast %gt3A_782 : i32 to vector<16xi32>
      %gt3A_784 = arith.cmpi sgt, %all_reduce_population_count3A, %gt3A_783 : vector<16xi32>
      %mul3A_785 = arith.mulf %sub3A_764, %add3A_781 : vector<16xf32>
      %mul3A_786 = arith.constant 1.000000e+02 : f32
      %mul3A_787 = vector.broadcast %mul3A_786 : f32 to vector<16xf32>
      %mul3A_788 = arith.mulf %mul3A_785, %mul3A_787 : vector<16xf32>
      %add3A_789 = arith.addf %sub3A_764, %mul3A_788 : vector<16xf32>
      %select_n3A_790 = arith.select %gt3A_784, %add3A_789, %sub3A_764 : vector<16xi1>, vector<16xf32>
      %swap3A_791 = arith.constant 0 : index
      %swap3A_792 = tpu.vector_load %arg10[%swap3A_791] {strides = array<i32>} : memref<16xf32, #tpu.memory_space<vmem>>, vector<16xf32>,
      tpu.vector_store %arg10[%swap3A_791], %select_n3A_790 {strides = array<i32>} : memref<16xf32, #tpu.memory_space<vmem>>, vector<16xf32>,
      "tpu.region"() ({
        %run_scoped3A = tpu.sem_alloc : memref<!tpu.dma_semaphore, #tpu.memory_space<semaphore_mem>>
        %dma_start3A_793 = arith.constant 0 : i32
        %dma_start3A_794 = tpu.memref_slice %arg10[%dma_start3A_793] : memref<16xf32, #tpu.memory_space<vmem>> -> memref<1xf32, #tpu.memory_space<vmem>>
        %dma_start3A_795 = arith.constant 0 : i32
        %dma_start3A_796 = tpu.memref_slice %arg10[%dma_start3A_795] : memref<16xf32, #tpu.memory_space<vmem>> -> memref<1xf32, #tpu.memory_space<vmem>>
        tpu.enqueue_dma source(%dma_start3A_796 : memref<1xf32, #tpu.memory_space<vmem>>) target(%arg4 : memref<1xf32, #tpu.memory_space<hbm>>) target_semaphore(%run_scoped3A : memref<!tpu.dma_semaphore, #tpu.memory_space<semaphore_mem>>)
        %dma_wait3A_797 = arith.constant 0 : i32
        %dma_wait3A_798 = tpu.memref_slice %arg10[%dma_wait3A_797] : memref<16xf32, #tpu.memory_space<vmem>> -> memref<1xf32, #tpu.memory_space<vmem>>
        %dma_wait3A_799 = arith.constant 0 : i32
        %dma_wait3A_800 = tpu.memref_slice %arg10[%dma_wait3A_799] : memref<16xf32, #tpu.memory_space<vmem>> -> memref<1xf32, #tpu.memory_space<vmem>>
        tpu.wait_dma2 semaphore(%run_scoped3A : memref<!tpu.dma_semaphore, #tpu.memory_space<semaphore_mem>>) src(%dma_wait3A_800 : memref<1xf32, #tpu.memory_space<vmem>>) dst(%arg4 : memref<1xf32, #tpu.memory_space<hbm>>)
        tpu.yield
      }) : () -> ()
    } else {
    }
    return
  }
}

</mosaic_0001>

<sc_bundles>
// kernel: kernel.3.cloned.1.call-start
scs
__scs_entry_jumppad:
0x0: {  	(pc) =	sbr.rel $0x88, $3  }
0x1: {  	(tag) =	ssettag $0x0;
	lr =	simm.s32 $0x1  }
0x2: {  	[smem:$0x3F9F] =	sst lr;
	_ =	strace $0xD0000000  }
0x3: {  	_ = 	snop  }
0x4: {  	_ = 	snop  }
0x5: {  	_ = 	snop  }
0x6: {  	_ = 	snop  }
0x7: {  	_ = 	snop  }
__scs_overlays_trampoline_lowered:
0x8: {  	[smem:$0x3FAE] =	sst s0  }
0x9: {  	[smem:$0x3FAF] =	sst s1  }
0xa: {  	[smem:$0x3FB0] =	sst s2  }
0xb: {  	[smem:$0x3FB1] =	sst s3  }
0xc: {  	[smem:$0x3FB2] =	sst s4  }
0xd: {  	[smem:$0x3FB3] =	sst s5  }
0xe: {  	[smem:$0x3FB4] =	sst s6  }
0xf: {  	[smem:$0x3FB5] =	sst s7  }
0x10: {  	[smem:$0x3FB6] =	sst s8  }
0x11: {  	[smem:$0x3FB7] =	sst s9;
	s0 =	simm.s32 @!p0 $0x0  }
0x12: {  	s1 =	sld [smem:$0x3F9D];
	s0 =	simm.s32 @p0 $0x1  }
0x13: {  	[smem:$0x3FB8] =	sst s0;
	s0 =	simm.s32 @!p1 $0x0  }
0x14: {  	s2 =	sld [smem:$0x3F9C];
	s0 =	simm.s32 @p1 $0x1  }
0x15: {  	[smem:$0x3FB9] =	sst s0;
	s0 =	simm.s32 @!p2 $0x0  }
0x16: {  	s3 =	sld [smem:$0x3FDB];
	s0 =	simm.s32 @p2 $0x1  }
0x17: {  	s4 =	simm.s32 $0x1BF5;
	[smem:$0x3FBB] =	sst s0  }
0x18: {  	s0 =	sld [smem:$0x3F9E];
	_ =	swait.ge [sflag:s4], $0x0  }
0x19: {  	s7 =	sld [smem:$0x3F9F]  }
0x1a: {  	s8 =	sadd.s32 $0xFFFFE003, lr  }
0x1b: {  	s9 =	sadd.s32 $0xFFFFFEF7, lr;
	s5 =	simm.s32 $0xFFFFFFFF;
	p2 =	slt.u32 s8, $0xFFFFF086  }
0x1c: {  	p1 =	slt.u32 s9, $0xF7A;
	s5 =	simm.s32 @!p2 $0x0  }
0x1d: {  	s5 =	simm.s32 @p1 $0x1;
	p0 =	seq.s32 s7, s2  }
0x1e: {  	s7 =	smul.u32 @!p0 $0xF7A, s2;
	p2 =	seq.s32 @!p0 s5, $0x0  }
0x1f: {  	s9 =	smul.u32 $0xF7A, s1;
	s8 =	simm.s32 @!p0 $0x1BF5;
	p2 =	por !p2, p0  }
0x20: {  	[sflag:s8] =	ssyncset.s32 @!p0 $0xFFFFF086;
	s6 =	sadd.s32 @!p0 s3, s7;
	s7 =	simm.s32 @!p0 $0x108  }
0x21: {  	s3 =	sadd.s32 s3, s9;
	s6 =	sadd.s32 @!p0 $0x88, s6;
	s7 =	simm.s32 @p2 $0x1082  }
0x22: {  	[simem:s7], [sflag:s8] =	dma.local @!p0 [hbm:s6], $0xF7A  }
0x23: {  	s9 =	sor.u32 $0xD0000000, s2;
	s6 =	simm.s32 $0x108;
	_ =	swait.ge @!p0 [sflag:s8], $0x0  }
0x24: {  	s3 =	sadd.s32 $0x88, s3;
	s6 =	simm.s32 @!p1 $0x1082;
	[sflag:s4] =	ssyncset.s32 $0xFFFFF086  }
0x25: {  	[simem:s6], [sflag:s4] =	dma.local [hbm:s3], $0xF7A  }
0x26: {  	[smem:$0x3F9F] =	sst s1;
	(tag) =	ssettag s2;
	_ =	strace s9  }
0x27: {  	s1 =	sld [smem:$0x3FAF]  }
0x28: {  	s2 =	sld [smem:$0x3FB0]  }
0x29: {  	s4 =	sld [smem:$0x3FB2]  }
0x2a: {  	p0 =	seq.s32 s5, $0x0;
	s5 =	sld [smem:$0x3FB3]  }
0x2b: {  	s6 =	sld [smem:$0x3FB4]  }
0x2c: {  	s7 =	sld [smem:$0x3FB5]  }
0x2d: {  	s3 =	simm.s32 $0x108;
	s8 =	sld [smem:$0x3FB6]  }
0x2e: {  	s3 =	simm.s32 @!p0 $0x1082;
	s9 =	sld [smem:$0x3FB7]  }
0x2f: {  	lr =	sadd.s32 s0, s3;
	s0 =	sld [smem:$0x3FAE]  }
0x30: {  	s3 =	sld [smem:$0x3FB1]  }
0x31: {  	[smem:$0x3FBA] =	sst s10  }
0x32: {  	s10 =	sld [smem:$0x3FB8];
	_ =	sdelay $0x3  }
0x33: {  	p0 =	seq.s32 s10, $0x1;
	s10 =	sld [smem:$0x3FBA];
	_ =	sdelay $0x3  }
0x34: {  	[smem:$0x3FBA] =	sst s10  }
0x35: {  	s10 =	sld [smem:$0x3FB9];
	_ =	sdelay $0x3  }
0x36: {  	p1 =	seq.s32 s10, $0x1;
	s10 =	sld [smem:$0x3FBA];
	_ =	sdelay $0x3  }
0x37: {  	[smem:$0x3FBA] =	sst s10  }
0x38: {  	s10 =	sld [smem:$0x3FBB]  }
0x39: {  	_ = 	snop;
	(pc) =	sbr.ind lr, $3  }
0x3a: {  	_ = 	snop  }
0x3b: {  	_ = 	snop  }
0x3c: {  	p2 =	seq.s32 s10, $0x1;
	s10 =	sld [smem:$0x3FBA]  }
0x3d: {  	_ =	shalt  }
0x3e: {  	_ =	shalt  }
0x3f: {  	_ =	shalt  }
0x40: {  	_ =	shalt  }
0x41: {  	_ =	shalt  }
0x42: {  	_ =	shalt  }
0x43: {  	_ =	shalt  }
0x44: {  	_ =	shalt  }
0x45: {  	_ =	shalt  }
0x46: {  	_ =	shalt  }
0x47: {  	_ =	shalt  }
0x48: {  	_ =	shalt  }
0x49: {  	_ =	shalt  }
0x4a: {  	_ =	shalt  }
0x4b: {  	_ =	shalt  }
0x4c: {  	_ =	shalt  }
0x4d: {  	_ =	shalt  }
0x4e: {  	_ =	shalt  }
0x4f: {  	_ =	shalt  }
0x50: {  	_ =	shalt  }
0x51: {  	_ =	shalt  }
0x52: {  	_ =	shalt  }
0x53: {  	_ =	shalt  }
0x54: {  	_ =	shalt  }
0x55: {  	_ =	shalt  }
0x56: {  	_ =	shalt  }
0x57: {  	_ =	shalt  }
0x58: {  	_ =	shalt  }
0x59: {  	_ =	shalt  }
0x5a: {  	_ =	shalt  }
0x5b: {  	_ =	shalt  }
0x5c: {  	_ =	shalt  }
0x5d: {  	_ =	shalt  }
0x5e: {  	_ =	shalt  }
0x5f: {  	_ =	shalt  }
0x60: {  	_ =	shalt  }
0x61: {  	_ =	shalt  }
0x62: {  	_ =	shalt  }
0x63: {  	_ =	shalt  }
0x64: {  	_ =	shalt  }
0x65: {  	_ =	shalt  }
0x66: {  	_ =	shalt  }
0x67: {  	_ =	shalt  }
0x68: {  	_ =	shalt  }
0x69: {  	_ =	shalt  }
0x6a: {  	_ =	shalt  }
0x6b: {  	_ =	shalt  }
0x6c: {  	_ =	shalt  }
0x6d: {  	_ =	shalt  }
0x6e: {  	_ =	shalt  }
0x6f: {  	_ =	shalt  }
0x70: {  	_ =	shalt  }
0x71: {  	_ =	shalt  }
0x72: {  	_ =	shalt  }
0x73: {  	_ =	shalt  }
0x74: {  	_ =	shalt  }
0x75: {  	_ =	shalt  }
0x76: {  	_ =	shalt  }
0x77: {  	_ =	shalt  }
0x78: {  	_ =	shalt  }
0x79: {  	_ =	shalt  }
0x7a: {  	_ =	shalt  }
0x7b: {  	_ =	shalt  }
0x7c: {  	_ =	shalt  }
0x7d: {  	_ =	shalt  }
0x7e: {  	_ =	shalt  }
0x7f: {  	_ =	shalt  }
0x80: {  	_ =	shalt  }
0x81: {  	_ =	shalt  }
0x82: {  	_ =	shalt  }
0x83: {  	_ =	shalt  }
0x84: {  	_ =	shalt  }
0x85: {  	_ =	shalt  }
0x86: {  	_ =	shalt  }
0x87: {  	_ =	shalt  }
.Lfunc_end0:
.L_simem_size_0:
called_computation_lowered:
.L_overlay_start_0:
0x88: {  	s0 =	sld [smem:$0x3FD9]  }
0x89: {  	s1 =	sld [smem:$0x3FFE];
	_ =	sdelay $0x3  }
0x8a: {  	s0 =	sadd.s32 s1, s0  }
0x8b: {  	[smem:$0x3FC6] =	sst s0  }
0x8c: {  	_ = 	snop  }
0x8d: {  	s0 =	sld [smem:$0x3FC9]  }
0x8e: {  	s17 =	sld [smem:$0x3FC8]  }
0x8f: {  	s2 =	sld [smem:$0x3FD0];
	(tm) =	ssettm $0x1  }
0x90: {  	s3 =	sld [smem:$0x3FFB];
	_ =	sdelay $0x3  }
0x91: {  	_ =	strace s3  }
0x92: {  	s3 =	sld [smem:$0x3FFC];
	_ =	sdelay $0x3  }
0x93: {  	_ =	strace s3  }
0x94: {  	s3 =	sld [smem:$0x3FFD];
	_ =	sdelay $0x3  }
0x95: {  	_ =	strace s3  }
0x96: {  	_ =	strace $0x8FFFFFFF  }
0x97: {  	s18 =	sld [smem:$0x3FDB];
	_ =	sdelay $0x1  }
0x98: {  	s4 =	simm.s32 $_scs_section_size  }
0x99: {  	s5 =	simm.s32 $_size__tile_overlayer_lowered;
	s6 =	simm.s32 $_tile_overlayer_lowered  }
0x9a: {  	s21 =	simm.s32 $0x1BFF;
	s20 =	sshll.u32 s6, $0x1;
	s3 =	sadd.s32 s4, s18  }
0x9b: {  	s7 =	simm.s32 $0x0;
	s19 =	sshll.u32 s5, $0x1;
	s5 =	sadd.s32 s20, s3  }
0x9c: {  	[timem:s7], [sflag:s21] =	dma.local [hbm:s5], s19  }
0x9d: {  	_ =	swait.ge [sflag:s21], s19  }
0x9e: {  	s4 =	ssub.s32 $0x0, s19;
	[sflag:s21] =	ssyncset.done $0x0  }
0x9f: {  	[sflag:s21] =	ssyncadd.s32 s4;
	_ =	sdelay $0x1  }
0xa0: {  	s22 =	simm.s32 $0x1B8B  }
0xa1: {  	_ =	swait.ge [sflag:s22], $0x1  }
0xa2: {  	[sflag:s22] =	ssyncset.done $0x0  }
0xa3: {  	s23 =	simm.s32 $0x1B8E;
	[sflag:s22] =	ssyncadd.s32 $0xFFFFFFFF  }
0xa4: {  	s24 =	simm.s32 $execute0_lowered;
	[smem:$0x3FD2] =	sst s23  }
0xa5: {  	s4 =	sshll.u32 s24, $0x1;
	_ =	strace $0x80000046;
	[dreg:$0x1] =	wrdreg $0xFFFFFFFF  }
0xa6: {  	s25 =	simm.s32 $_size_execute0_lowered;
	s3 =	sadd.s32 s3, s4;
	[dreg:$0x0] =	wrdreg $0x0  }
0xa7: {  	s4 =	sshll.u32 s25, $0x1;
	[dreg:$0x2] =	wrdreg s3  }
0xa8: {  	[dreg:$0x3] =	wrdreg s4  }
0xa9: {  	[dreg:$0x4] =	wrdreg $0xC0  }
0xaa: {  	_ =	task [dreg:s7], $0x5FFFF  }
0xab: {  	[dreg:$0x1] =	wrdreg $0xFFFFFFFF  }
0xac: {  	[dreg:$0x0] =	wrdreg $0x60  }
0xad: {  	[dreg:$0x2] =	wrdreg s0  }
0xae: {  	[dreg:$0x3] =	wrdreg s17  }
0xaf: {  	[dreg:$0x4] =	wrdreg s2  }
0xb0: {  	[dreg:$0x5] =	wrdreg $0x9000  }
0xb1: {  	[dreg:$0x6] =	wrdreg $0x9  }
0xb2: {  	_ =	task.clear_ibuf [dreg:s7], $0x7FFFF;
	_ =	strace $0x90000046  }
0xb3: {  	s26 =	simm.s32 $0x9;
	_ =	strace $0x80000048  }
0xb4: {  	_ =	swait.ge [sflag:s26], $0x1  }
0xb5: {  	[sflag:s26] =	ssyncadd.s32 $0xFFFFFFFF  }
0xb6: {  	_ =	strace $0x90000048  }
0xb7: {  	_ =	sfence  }
0xb8: {  	s28 =	sld [smem:$0x0];
	_ =	sdelay $0x1  }
0xb9: {  	s29 =	srdreg.scid  }
0xba: {  	s30 =	sshll.u32 s29, $0xD;
	s31 =	sshrl.u32 s29, $0x2  }
0xbb: {  	s1 =	sand.u32 $0x1, s29;
	s2 =	sand.u32 $0x4000, s30;
	s0 =	sadd.s32 s31, s28  }
0xbc: {  	s1 =	sor.u32 s2, s1;
	s0 =	sshll.u32 s0, $0x11  }
0xbd: {  	s0 =	sor.u32 s0, s1  }
0xbe: {  	s0 =	sadd.s32 $0x8F2B, s0  }
0xbf: {  	[sflag:s0] =	ssyncadd.remote.s32 $0x1  }
0xc0: {  	_ =	sfence.sel $0xFFFF  }
0xc1: {  	[dreg:$0x0] =	wrdreg $0xFFFFFFFF;
	(pc) =	sbr.abs _section_cstart, $3  }
0xc2: {  	[dreg:$0x1] =	wrdreg $0xFFFFFFFF  }
0xc3: {  	_ =	task.clear_ibuf [dreg:s7], $0x2FFFF;
	_ =	strace $0x9FFFFFFF  }
0xc4: {  	(tm) =	ssettm $0x7FFFFFFF  }
0xc5: {  	_ =	shalt  }
tec
execute0_lowered:
.L_overlay_start_1:
0x0: {  	(tag) =	ssettag $0x1  }
0x1: {  	s5 =	rddreg [dreg:$0x0]  }
0x2: {  	s6 =	rddreg [dreg:$0x1]  }
0x3: {  	s1 =	rddreg [dreg:$0x2]  }
0x4: {  	s3 =	rddreg [dreg:$0x3];
	s7 =	simm.s32 $0x0;
	s4 =	stileid.u32  }
0x5: {  	[smem:$0x7FF] =	sst s7;
	s2 =	sshll.u32 s4, $0x7  }
0x6: {  	s0 =	rddreg [dreg:$0x4];
	_ =	strace $0x80000047;
	s5 =	sadd.s32 s5, s2  }
0x7: {  	[tilespmem:s7], [sflag:$0x1] =	stream.linear.gather [hbm4b:s5+s7], $0x400, $0x38;
	[tilespmem:$0x1A80] =	vst v63  }
0x8: {  	s28 =	simm.s32 $0x400;
	s26 =	sadd.s32 s6, s2  }
0x9: {  	v0 =	vimm.f32 $0.0e+00;
	[tilespmem:s28], [sflag:$0x2] =	stream.linear.gather [hbm4b:s26+s7], $0x400, $0x38;
	[tilespmem:$0x1A80] =	vst v63  }
0xa: {  	[tilespmem:$0x800] =	vst v0  }
0xb: {  	[tilespmem:$0x810] =	vst v0  }
0xc: {  	[tilespmem:$0x820] =	vst v0  }
0xd: {  	[tilespmem:$0x830] =	vst v0  }
0xe: {  	[tilespmem:$0x840] =	vst v0  }
0xf: {  	[tilespmem:$0x850] =	vst v0  }
0x10: {  	[tilespmem:$0x860] =	vst v0  }
0x11: {  	[tilespmem:$0x870] =	vst v0  }
0x12: {  	[tilespmem:$0x880] =	vst v0  }
0x13: {  	[tilespmem:$0x890] =	vst v0  }
0x14: {  	[tilespmem:$0x8A0] =	vst v0  }
0x15: {  	[tilespmem:$0x8B0] =	vst v0  }
0x16: {  	[tilespmem:$0x8C0] =	vst v0  }
0x17: {  	[tilespmem:$0x8D0] =	vst v0  }
0x18: {  	[tilespmem:$0x8E0] =	vst v0  }
0x19: {  	s29 =	simm.s32 $0x1;
	[tilespmem:$0x8F0] =	vst v0  }
0x1a: {  	_ =	swait.ge [sflag:s29], $0x400  }
0x1b: {  	[sflag:s29] =	ssyncset.done $0x0  }
0x1c: {  	s30 =	simm.s32 $0x2;
	[sflag:s29] =	ssyncadd.s32 $0xFFFFFC00  }
0x1d: {  	_ =	swait.ge [sflag:s30], $0x400  }
0x1e: {  	[sflag:s30] =	ssyncset.done $0x0  }
0x1f: {  	s31 =	simm.s32 $0x440;
	[sflag:s30] =	ssyncadd.s32 $0xFFFFFC00  }
0x20: {  	s5 =	simm.s32 $0x40;
	v0 =	vld [tilespmem:s31+$0x30]  }
0x21: {  	v1 =	vld [tilespmem:s5+$0x30]  }
0x22: {  	v2 =	vld [tilespmem:s31+$0xFFFFFFC0]  }
0x23: {  	v3 =	vld [tilespmem:s31+$0xFFFFFFD0]  }
0x24: {  	v4 =	vld [tilespmem:s31+$0xFFFFFFE0]  }
0x25: {  	v5 =	vld [tilespmem:s31+$0xFFFFFFF0]  }
0x26: {  	v6 =	vld [tilespmem:s31+$0x0]  }
0x27: {  	v8 =	vld [tilespmem:s5+$0xFFFFFFE0]  }
0x28: {  	v10 =	vld [tilespmem:s5+$0x0]  }
0x29: {  	v7 =	vld [tilespmem:s5+$0xFFFFFFD0]  }
0x2a: {  	v9 =	vld [tilespmem:s5+$0xFFFFFFF0];
	v0 =	vshll.u32 v0, $0x4  }
0x2b: {  	v11 =	vld [tilespmem:s31+$0x10];
	v4 =	vshll.u32 v4, $0x4;
	v1 =	vadd.s32 v1, v0  }
0x2c: {  	v63 =	vld [tilespmem:s5+$0x20];
	v6 =	vshll.u32 v6, $0x4;
	v4 =	vadd.s32 v8, v4  }
0x2d: {  	v0 =	vshll.u32 v3, $0x4;
	v3 =	vld [tilespmem:s31+$0x20];
	v6 =	vadd.s32 v10, v6  }
0x2e: {  	v7 =	vadd.s32 v7, v0;
	v0 =	vshll.u32 v5, $0x4;
	v5 =	vld [tilespmem:s5+$0x10]  }
0x2f: {  	s6 =	simm.s32 $0x800;
	v12 =	vld [tilespmem:s5+$0xFFFFFFC0];
	v9 =	vadd.s32 v9, v0;
	v0 =	vimm.f32 $1.000000000e+00  }
0x30: {  	[tilespmem:v1+s6+$0x0] =	vst.idx.add.f32.msk $0xffff, v0  }
0x31: {  	[tilespmem:v4+s6+$0x0] =	vst.idx.add.f32.msk $0xffff, v0  }
0x32: {  	v1 =	vshll.u32 v11, $0x4;
	[tilespmem:v6+s6+$0x0] =	vst.idx.add.f32.msk $0xffff, v0  }
0x33: {  	v4 =	vshll.u32 v2, $0x4;
	v3 =	vshll.u32 v3, $0x4;
	[tilespmem:v7+s6+$0x0] =	vst.idx.add.f32.msk $0xffff, v0;
	v2 =	vadd.s32 v5, v1  }
0x34: {  	s8 =	simm.s32 $0x4C0;
	s7 =	simm.s32 $0x0;
	v1 =	vadd.s32 v63, v3;
	v3 =	vadd.s32 v12, v4;
	[tilespmem:v9+s6+$0x0] =	vst.idx.add.f32.msk $0xffff, v0  }
.LBB2_1:
0x35: {  	v4 =	vld [tilespmem:s8+$0x30];
	s7 =	sadd.s32 $0x80, s7;
	s5 =	sadd.s32 $0x80, s5  }
0x36: {  	v5 =	vld [tilespmem:s5+$0x30];
	p0 =	slt.u32 s7, $0x380  }
0x37: {  	v6 =	vld [tilespmem:s8+$0xFFFFFFC0]  }
0x38: {  	v7 =	vld [tilespmem:s8+$0xFFFFFFD0]  }
0x39: {  	v8 =	vld [tilespmem:s8+$0xFFFFFFE0]  }
0x3a: {  	v9 =	vld [tilespmem:s8+$0xFFFFFFF0];
	v4 =	vshll.u32 v4, $0x4  }
0x3b: {  	v10 =	vld [tilespmem:s8+$0x0];
	v4 =	vadd.s32 v5, v4  }
0x3c: {  	v5 =	vshll.u32 v6, $0x4;
	v6 =	vld [tilespmem:s8+$0x10]  }
0x3d: {  	v7 =	vshll.u32 v7, $0x4;
	v11 =	vld [tilespmem:s8+$0x20]  }
0x3e: {  	v12 =	vld [tilespmem:s5+$0xFFFFFFD0];
	v8 =	vshll.u32 v8, $0x4  }
0x3f: {  	v13 =	vld [tilespmem:s5+$0xFFFFFFE0];
	v9 =	vshll.u32 v9, $0x4  }
0x40: {  	v10 =	vshll.u32 v10, $0x4;
	[tilespmem:v4+s6+$0x0] =	vst.idx.add.f32.msk $0xffff, v0  }
0x41: {  	v4 =	vld [tilespmem:s5+$0xFFFFFFF0];
	v6 =	vshll.u32 v6, $0x4  }
0x42: {  	v14 =	vld [tilespmem:s5+$0x0];
	v11 =	vshll.u32 v11, $0x4  }
0x43: {  	v7 =	vadd.s32 v12, v7;
	v12 =	vld [tilespmem:s5+$0x10]  }
0x44: {  	v8 =	vadd.s32 v13, v8;
	v13 =	vld [tilespmem:s5+$0x20]  }
0x45: {  	v15 =	vld [tilespmem:s5+$0xFFFFFFC0]  }
0x46: {  	v4 =	vadd.s32 v4, v9;
	[tilespmem:v3+s6+$0x0] =	vst.idx.add.f32.msk $0xffff, v0  }
0x47: {  	v9 =	vadd.s32 v14, v10;
	[tilespmem:v2+s6+$0x0] =	vst.idx.add.f32.msk $0xffff, v0  }
.Ltmp0:
0x48: {  	[tilespmem:v7+s6+$0x0] =	vst.idx.add.f32.msk $0xffff, v0;
	v2 =	vadd.s32 v12, v6;
	(pc) =	sbr.rel @p0 .LBB2_1-.Ltmp0, $4  }
0x49: {  	[tilespmem:v8+s6+$0x0] =	vst.idx.add.f32.msk $0xffff, v0;
	v6 =	vadd.s32 v13, v11  }
0x4a: {  	v3 =	vadd.s32 v15, v5;
	[tilespmem:v1+s6+$0x0] =	vst.idx.add.f32.msk $0xffff, v0;
	v1 =	vmov v6  }
0x4b: {  	[tilespmem:v4+s6+$0x0] =	vst.idx.add.f32.msk $0xffff, v0  }
0x4c: {  	s8 =	sadd.s32 $0x80, s8;
	[tilespmem:v9+s6+$0x0] =	vst.idx.add.f32.msk $0xffff, v0  }
0x4d: {  	_ =	sdelay $0x2  }
0x4e: {  	s5 =	sshll.u32 s4, $0x8  }
0x4f: {  	[tilespmem:v3+s6+$0x0] =	vst.idx.add.f32.msk $0xffff, v0;
	s5 =	sand.u32 $0x800, s5  }
0x50: {  	s2 =	sand.u32 $0x380, s2;
	[tilespmem:v2+s6+$0x0] =	vst.idx.add.f32.msk $0xffff, v0;
	s30 =	simm.s32 $0x80;
	s5 =	sadd.s32 s5, s3  }
0x51: {  	[tilespmem:v1+s6+$0x0] =	vst.idx.add.f32.msk $0xffff, v0;
	s31 =	simm.s32 $0x400;
	s7 =	simm.s32 $0x800;
	s2 =	sadd.s32 s2, s5  }
0x52: {  	[spmem:s2] =	stream.strided.scatter [tilespmem:s7], [sflag:$0x3], $0x100, s31, s30, $0x38;
	[tilespmem:$0x1A80] =	vst v63  }
0x53: {  	s2 =	simm.s32 $0x3  }
0x54: {  	_ =	swait.ge [sflag:s2], $0x100  }
0x55: {  	[sflag:s2] =	ssyncset.done $0x0  }
0x56: {  	[sflag:s2] =	ssyncadd.s32 $0xFFFFFF00  }
0x57: {  	p0 =	sne.s32 s4, $0x0;
	[bflag:$0x0] =	sbarrier.arrive $0xFFFF  }
0x58: {  	_ =	sfence.sel @p0 $0x180000  }
0x59: {  	[bflag:$0x0] =	sbarrier.arrive @p0 $0xFFFF  }
0x5a: {  	_ =	strace @p0 $0x90000047  }
0x5b: {  	[bflag:$0x2] =	sbarrier.arrive @p0 $0xFFFF  }
0x5c: {  	_ =	shalt @p0  }
.LBB2_3:
0x5d: {  	v0 =	vimm.f32 $7.000000000e+00  }
0x5e: {  	(erf) = vrcp.f32 v0;
	_ =	sdelay $0x7  }
0x5f: {  	s4 =	simm.s32 $0xA00  }
0x60: {  	[tilespmem:s4], [sflag:$0x3] =	stream.linear.gather [spmem:s3], $0x1000, $0x38;
	v0 =	vpop (erf);
	[tilespmem:$0x1A80] =	vst v63  }
0x61: {  	_ =	swait.ge [sflag:s2], $0x1000  }
0x62: {  	[sflag:s2] =	ssyncset.done $0x0  }
0x63: {  	[sflag:s2] =	ssyncadd.s32 $0xFFFFF000  }
0x64: {  	v1 =	vld [tilespmem:$0xA00]  }
0x65: {  	v2 =	vld [tilespmem:$0xA80]  }
0x66: {  	v3 =	vld [tilespmem:$0xB00]  }
0x67: {  	v4 =	vld [tilespmem:$0xB80]  }
0x68: {  	v5 =	vld [tilespmem:$0xC00]  }
0x69: {  	v6 =	vld [tilespmem:$0xC80]  }
0x6a: {  	v7 =	vld [tilespmem:$0xD00]  }
0x6b: {  	v8 =	vld [tilespmem:$0xD80]  }
0x6c: {  	v9 =	vld [tilespmem:$0x1200]  }
0x6d: {  	v10 =	vld [tilespmem:$0x1280]  }
0x6e: {  	v11 =	vld [tilespmem:$0x1300]  }
0x6f: {  	v12 =	vld [tilespmem:$0x1380]  }
0x70: {  	v13 =	vld [tilespmem:$0x1400]  }
0x71: {  	v14 =	vld [tilespmem:$0x1480]  }
0x72: {  	v15 =	vld [tilespmem:$0x1500]  }
0x73: {  	v16 =	vld [tilespmem:$0x1580]  }
0x74: {  	v17 =	vld [tilespmem:$0xA10]  }
0x75: {  	v18 =	vld [tilespmem:$0xA90]  }
0x76: {  	v19 =	vld [tilespmem:$0xB10]  }
0x77: {  	v20 =	vld [tilespmem:$0xB90]  }
0x78: {  	v21 =	vld [tilespmem:$0xC10]  }
0x79: {  	v22 =	vld [tilespmem:$0xC90]  }
0x7a: {  	v23 =	vld [tilespmem:$0xD10]  }
0x7b: {  	v24 =	vld [tilespmem:$0xD90]  }
0x7c: {  	v25 =	vld [tilespmem:$0x1210]  }
0x7d: {  	v26 =	vld [tilespmem:$0x1290]  }
0x7e: {  	v27 =	vld [tilespmem:$0x1310]  }
0x7f: {  	v28 =	vld [tilespmem:$0x1390]  }
0x80: {  	v29 =	vld [tilespmem:$0x1410]  }
0x81: {  	v30 =	vld [tilespmem:$0x1490]  }
0x82: {  	v31 =	vld [tilespmem:$0x1510]  }
0x83: {  	v32 =	vld [tilespmem:$0x1590]  }
0x84: {  	v33 =	vld [tilespmem:$0xA20]  }
0x85: {  	v34 =	vld [tilespmem:$0xAA0]  }
0x86: {  	v35 =	vld [tilespmem:$0xB20]  }
0x87: {  	v36 =	vld [tilespmem:$0xBA0]  }
0x88: {  	v37 =	vld [tilespmem:$0xC20]  }
0x89: {  	v38 =	vld [tilespmem:$0xCA0]  }
0x8a: {  	v39 =	vld [tilespmem:$0xD20]  }
0x8b: {  	v40 =	vld [tilespmem:$0xDA0]  }
0x8c: {  	v41 =	vld [tilespmem:$0x1220]  }
0x8d: {  	v42 =	vld [tilespmem:$0x12A0]  }
0x8e: {  	v43 =	vld [tilespmem:$0x1320]  }
0x8f: {  	v44 =	vld [tilespmem:$0x13A0]  }
0x90: {  	v45 =	vld [tilespmem:$0x1420]  }
0x91: {  	v46 =	vld [tilespmem:$0x14A0]  }
0x92: {  	v47 =	vld [tilespmem:$0x1520]  }
0x93: {  	v48 =	vld [tilespmem:$0x15A0]  }
0x94: {  	v49 =	vld [tilespmem:$0xA30]  }
0x95: {  	v50 =	vld [tilespmem:$0xAB0]  }
0x96: {  	v51 =	vld [tilespmem:$0xB30]  }
0x97: {  	v52 =	vld [tilespmem:$0xBB0]  }
0x98: {  	v53 =	vld [tilespmem:$0xC30];
	v1 =	vadd.f32 $0.0e+00, v1  }
0x99: {  	v54 =	vld [tilespmem:$0xD30]  }
0x9a: {  	v55 =	vld [tilespmem:$0xAC0];
	v1 =	vadd.f32 v2, v1  }
0x9b: {  	v56 =	vld [tilespmem:$0xB40]  }
0x9c: {  	v57 =	vld [tilespmem:$0xBC0];
	v62 =	vadd.f32 $0.0e+00, v17;
	v1 =	vadd.f32 v3, v1  }
0x9d: {  	v58 =	vld [tilespmem:$0xC40];
	v63 =	vadd.f32 $0.0e+00, v33  }
0x9e: {  	v59 =	vld [tilespmem:$0xCC0];
	v2 =	vadd.f32 v18, v62;
	v1 =	vadd.f32 v4, v1  }
0x9f: {  	v60 =	vld [tilespmem:$0xD40];
	v3 =	vadd.f32 v34, v63  }
0xa0: {  	v61 =	vld [tilespmem:$0xDC0];
	v2 =	vadd.f32 v19, v2;
	v1 =	vadd.f32 v5, v1  }
0xa1: {  	v17 =	vld [tilespmem:$0xCB0];
	v3 =	vadd.f32 v35, v3  }
0xa2: {  	v33 =	vld [tilespmem:$0x1230];
	v2 =	vadd.f32 v20, v2;
	v1 =	vadd.f32 v6, v1  }
0xa3: {  	v18 =	vld [tilespmem:$0xDB0];
	v3 =	vadd.f32 v36, v3  }
0xa4: {  	v62 =	vld [tilespmem:$0x1240];
	v2 =	vadd.f32 v21, v2;
	v1 =	vadd.f32 v7, v1  }
0xa5: {  	v19 =	vld [tilespmem:$0x12B0];
	v3 =	vadd.f32 v37, v3  }
0xa6: {  	v34 =	vld [tilespmem:$0x1330];
	v2 =	vadd.f32 v22, v2;
	v1 =	vadd.f32 v8, v1  }
0xa7: {  	v63 =	vld [tilespmem:$0x12C0];
	v3 =	vadd.f32 v38, v3  }
0xa8: {  	v35 =	vld [tilespmem:$0xA40];
	v2 =	vadd.f32 v23, v2;
	v1 =	vadd.f32 v9, v1  }
0xa9: {  	v20 =	vld [tilespmem:$0x13B0];
	v3 =	vadd.f32 v39, v3  }
0xaa: {  	v4 =	vld [tilespmem:$0x15B0];
	v2 =	vadd.f32 v24, v2;
	v1 =	vadd.f32 v10, v1  }
0xab: {  	v21 =	vld [tilespmem:$0x14B0];
	v38 =	vadd.f32 $0.0e+00, v49;
	v3 =	vadd.f32 v40, v3  }
0xac: {  	v5 =	vld [tilespmem:$0x1530];
	v2 =	vadd.f32 v25, v2;
	v1 =	vadd.f32 v11, v1  }
0xad: {  	v36 =	vld [tilespmem:$0x1540];
	v7 =	vadd.f32 $0.0e+00, v35;
	v3 =	vadd.f32 v41, v3  }
0xae: {  	v6 =	vld [tilespmem:$0x1430];
	v2 =	vadd.f32 v26, v2;
	v1 =	vadd.f32 v12, v1  }
0xaf: {  	v37 =	vld [tilespmem:$0x15C0];
	v7 =	vadd.f32 v55, v7;
	v3 =	vadd.f32 v42, v3  }
0xb0: {  	v39 =	vld [tilespmem:$0xA50];
	v2 =	vadd.f32 v27, v2;
	v1 =	vadd.f32 v13, v1  }
0xb1: {  	v22 =	vld [tilespmem:$0x1450];
	v7 =	vadd.f32 v56, v7;
	v3 =	vadd.f32 v43, v3  }
0xb2: {  	v49 =	vld [tilespmem:$0xBE0];
	v2 =	vadd.f32 v28, v2;
	v1 =	vadd.f32 v14, v1  }
0xb3: {  	v7 =	vadd.f32 v57, v7;
	v42 =	vld [tilespmem:$0xA60];
	v3 =	vadd.f32 v44, v3  }
0xb4: {  	v55 =	vld [tilespmem:$0xDD0];
	v2 =	vadd.f32 v29, v2;
	v1 =	vadd.f32 v15, v1  }
0xb5: {  	v41 =	vld [tilespmem:$0xAD0];
	v29 =	vadd.f32 $0.0e+00, v39;
	v3 =	vadd.f32 v45, v3  }
0xb6: {  	v56 =	vld [tilespmem:$0xD60];
	v1 =	vadd.f32 v16, v1;
	v16 =	vadd.f32 v50, v38  }
0xb7: {  	v44 =	vld [tilespmem:$0xB50];
	v2 =	vadd.f32 v30, v2;
	v40 =	vadd.f32 v46, v3  }
0xb8: {  	v35 =	vadd.f32 $0.0e+00, v42;
	v45 =	vld [tilespmem:$0xAE0];
	v16 =	vadd.f32 v51, v16  }
0xb9: {  	v2 =	vadd.f32 v31, v2;
	v46 =	vld [tilespmem:$0xBD0];
	v43 =	vadd.f32 v47, v40  }
0xba: {  	v29 =	vadd.f32 v41, v29;
	v47 =	vld [tilespmem:$0xB60];
	v16 =	vadd.f32 v52, v16  }
0xbb: {  	v3 =	vadd.f32 v32, v2;
	v2 =	vadd.f32 v48, v43;
	v48 =	vld [tilespmem:$0xC50]  }
0xbc: {  	v26 =	vld [tilespmem:$0x13C0];
	v29 =	vadd.f32 v44, v29;
	v16 =	vadd.f32 v53, v16  }
0xbd: {  	v7 =	vadd.f32 v58, v7;
	v50 =	vld [tilespmem:$0xCD0];
	v8 =	vadd.f32 v45, v35  }
0xbe: {  	v51 =	vld [tilespmem:$0xC60];
	v52 =	vadd.f32 v46, v29;
	v16 =	vadd.f32 v17, v16  }
0xbf: {  	v7 =	vadd.f32 v59, v7;
	v8 =	vadd.f32 v47, v8;
	v53 =	vld [tilespmem:$0xD50]  }
0xc0: {  	v17 =	vadd.f32 v48, v52;
	v16 =	vadd.f32 v54, v16;
	v54 =	vld [tilespmem:$0xCE0]  }
0xc1: {  	v57 =	vld [tilespmem:$0x1250];
	v7 =	vadd.f32 v60, v7;
	v8 =	vadd.f32 v49, v8  }
0xc2: {  	v58 =	vld [tilespmem:$0xDE0];
	v17 =	vadd.f32 v50, v17;
	v16 =	vadd.f32 v18, v16  }
0xc3: {  	v59 =	vld [tilespmem:$0x12D0];
	v7 =	vadd.f32 v61, v7;
	v8 =	vadd.f32 v51, v8  }
0xc4: {  	v13 =	vld [tilespmem:$0x1340];
	v9 =	vadd.f32 v53, v17;
	v16 =	vadd.f32 v33, v16  }
0xc5: {  	v60 =	vld [tilespmem:$0x1260];
	v7 =	vadd.f32 v62, v7;
	v8 =	vadd.f32 v54, v8  }
0xc6: {  	v14 =	vld [tilespmem:$0x1440];
	v9 =	vadd.f32 v55, v9;
	v16 =	vadd.f32 v19, v16  }
0xc7: {  	v61 =	vld [tilespmem:$0x1350];
	v7 =	vadd.f32 v63, v7;
	v8 =	vadd.f32 v56, v8  }
0xc8: {  	v62 =	vld [tilespmem:$0x12E0];
	v9 =	vadd.f32 v57, v9;
	v16 =	vadd.f32 v34, v16  }
0xc9: {  	v63 =	vld [tilespmem:$0x13D0];
	v7 =	vadd.f32 v13, v7;
	v8 =	vadd.f32 v58, v8  }
0xca: {  	v9 =	vadd.f32 v59, v9;
	v16 =	vadd.f32 v20, v16;
	v20 =	vld [tilespmem:$0x1360]  }
0xcb: {  	v27 =	vld [tilespmem:$0x14C0];
	v8 =	vadd.f32 v60, v8  }
0xcc: {  	v23 =	vld [tilespmem:$0x13E0];
	v7 =	vadd.f32 v26, v7;
	v9 =	vadd.f32 v61, v9  }
0xcd: {  	v24 =	vld [tilespmem:$0x14D0];
	v6 =	vadd.f32 v6, v16;
	v8 =	vadd.f32 v62, v8  }
0xce: {  	v25 =	vld [tilespmem:$0x1460];
	v7 =	vadd.f32 v14, v7;
	v9 =	vadd.f32 v63, v9  }
0xcf: {  	(xrf2) =	vadd.scan.msk.f32 $0xffff, v1;
	v26 =	vld [tilespmem:$0x1550];
	v6 =	vadd.f32 v21, v6;
	v8 =	vadd.f32 v20, v8  }
0xd0: {  	v29 =	vld [tilespmem:$0x14E0];
	v27 =	vadd.f32 v27, v7;
	v9 =	vadd.f32 v22, v9  }
0xd1: {  	v30 =	vld [tilespmem:$0x15D0];
	(xrf2) =	vadd.scan.msk.f32 $0xffff, v3;
	v5 =	vadd.f32 v5, v6;
	v8 =	vadd.f32 v23, v8  }
0xd2: {  	v32 =	vld [tilespmem:$0x1560];
	v31 =	vadd.f32 v36, v27;
	v9 =	vadd.f32 v24, v9  }
0xd3: {  	(xrf2) =	vadd.scan.msk.f32 $0xffff, v2;
	v4 =	vadd.f32 v4, v5;
	v8 =	vadd.f32 v25, v8  }
0xd4: {  	v33 =	vld [tilespmem:$0x15E0];
	v5 =	vadd.f32 v37, v31  }
0xd5: {  	v9 =	vadd.f32 v26, v9;
	(xrf2) =	vadd.scan.msk.f32 $0xffff, v4;
	v7 =	vadd.f32 v29, v8;
	_ =	sdelay $0x1  }
0xd6: {  	v34 =	vadd.f32 v30, v9;
	(xrf2) =	vadd.scan.msk.f32 $0xffff, v5;
	v6 =	vadd.f32 v32, v7;
	_ =	sdelay $0x1  }
0xd7: {  	v35, _, _ =	vpop (xrf2);
	(xrf2) =	vadd.scan.msk.f32 $0xffff, v34;
	v6 =	vadd.f32 v33, v6  }
0xd8: {  	v7 =	vbroadcast v35, $0xF  }
0xd9: {  	vm0 =	vmmov $0x1;
	v36, _, _ =	vpop (xrf2);
	(xrf2) =	vadd.scan.msk.f32 $0xffff, v6  }
0xda: {  	v9 =	vbroadcast v36, $0xF;
	v7 =	vnsel vm0, $0x0, v7  }
0xdb: {  	vm1 =	vcmask $0x704;
	v37, _, _ =	vpop (xrf2);
	v7 =	vadd.f32 $0.0e+00, v7  }
0xdc: {  	v10 =	vbroadcast v37, $0xF;
	v9 =	vnsel vm1, $0x0, v9  }
0xdd: {  	vm12 =	vcmask $0xB08;
	v7 =	vadd.f32 v9, v7;
	v38, _, _ =	vpop (xrf2)  }
0xde: {  	v39 =	vnsel vm12, $0x0, v10;
	v40 =	vbroadcast v38, $0xF  }
0xdf: {  	vm13 =	vcmask $0xF0C;
	v7 =	vadd.f32 v39, v7;
	v41, _, _ =	vpop (xrf2)  }
0xe0: {  	v9 =	vbroadcast v41, $0xF;
	v10 =	vnsel vm13, $0x0, v40  }
0xe1: {  	vm14 =	vcmask $0x1310;
	v42, _, _ =	vpop (xrf2);
	v7 =	vadd.f32 v10, v7  }
0xe2: {  	v9 =	vnsel vm14, $0x0, v9;
	v10 =	vbroadcast v42, $0xF  }
0xe3: {  	vm15 =	vcmask $0x1714;
	v7 =	vadd.f32 v9, v7;
	v43, _, _ =	vpop (xrf2)  }
0xe4: {  	v10 =	vnsel vm15, $0x0, v10;
	v9 =	vbroadcast v43, $0xF  }
0xe5: {  	vm4 =	vcmask $0x1B18;
	v7 =	vadd.f32 v10, v7  }
0xe6: {  	v9 =	vnsel vm4, $0x0, v9  }
0xe7: {  	v7 =	vadd.f32 v9, v7;
	_ =	sdelay $0x1  }
0xe8: {  	(xrf2) =	vadd.scan.msk.f32 $0xffff, v7;
	_ =	sdelay $0x1  }
0xe9: {  	v44 =	vadd.f32 $0.0e+00, v1;
	_ =	sdelay $0x1  }
0xea: {  	v9 =	vadd.f32 v3, v44;
	_ =	sdelay $0x1  }
0xeb: {  	v9 =	vadd.f32 v2, v9;
	_ =	sdelay $0x1  }
0xec: {  	v9 =	vadd.f32 v4, v9;
	_ =	sdelay $0x1  }
0xed: {  	v9 =	vadd.f32 v5, v9;
	v45, _, _ =	vpop (xrf2)  }
0xee: {  	v10 =	vadd.f32 $0.0e+00, v45  }
0xef: {  	v1 =	vnsel vm0, $0x0, v1;
	v9 =	vadd.f32 v34, v9  }
0xf0: {  	vm5 =	vcmask $0x308;
	v1 =	vadd.f32 $0.0e+00, v1;
	v10 =	vbroadcast v10, $0xF  }
0xf1: {  	vm6 =	vcmask $0x70C;
	v3 =	vsel vm5, $0x0, v3;
	v46 =	vadd.f32 v6, v9  }
0xf2: {  	v1 =	vadd.f32 v3, v1;
	v47 =	vmax.f32 v7, $1.000000000e+00;
	(erf) = vrcp.f32 v10  }
0xf3: {  	v2 =	vsel vm6, $0x0, v2;
	v48 =	vmax.f32 v46, $1.000000000e+00;
	(erf) = vrcp.f32 v47  }
0xf4: {  	vm7 =	vcmask $0xB10;
	v1 =	vadd.f32 v2, v1;
	(erf) = vrcp.f32 v48  }
0xf5: {  	v49 =	vsel vm7, $0x0, v4  }
0xf6: {  	vm8 =	vcmask $0xF14;
	v1 =	vadd.f32 v49, v1  }
0xf7: {  	v50 =	vsel vm8, $0x0, v5  }
0xf8: {  	vm9 =	vcmask $0x1318;
	v1 =	vadd.f32 v50, v1  }
0xf9: {  	v51 =	vsel vm9, $0x0, v34  }
0xfa: {  	vm10 =	vcmask $0x171C;
	v1 =	vadd.f32 v51, v1  }
0xfb: {  	v53 =	vsel vm10, $0x0, v6;
	v52 =	vpop (erf)  }
0xfc: {  	v1 =	vadd.f32 v53, v1;
	v54 =	vpop (erf)  }
0xfd: {  	v55 =	vpop (erf)  }
0xfe: {  	v5 =	vmul.f32 v54, v1;
	v1 =	vmul.f32 v55, v1;
	_ =	sdelay $0x1  }
0xff: {  	v4 =	vadd.f32 v5, v1;
	_ =	sdelay $0x1  }
0x100: {  	v56 =	vmax.f32 v4, $1.000000000e-30  }
0x101: {  	(erf) = vrcp.f32 v56;
	_ =	sdelay $0x5  }
0x102: {  	v1 =	vadd.f32 v1, v1;
	_ =	sdelay $0x1  }
0x103: {  	v1 =	vmul.f32 v5, v1  }
0x104: {  	v57 =	vpop (erf)  }
0x105: {  	v1 =	vmul.f32 v57, v1  }
0x106: {  	vm11 =	vgt.f32 v4, $0.0e+00  }
0x107: {  	v1 =	vnsel vm11, $0x0, v1  }
0x108: {  	vm12 =	vlt.f32 v46, $0.0e+00;
	vm13 =	vgt.f32 v46, $0.0e+00;
	v2 =	vmul.f32 v52, v7;
	(xrf2) =	vadd.scan.msk.f32 $0xffff, v1  }
0x109: {  	vm0 =	vmor vm13, vm12  }
0x10a: {  	v58 =	vmctz.xlane vm0;
	(xrf2) =	vadd.scan.msk.f32 $0xffff, v2  }
0x10b: {  	v59 =	vlaneseq.u32  }
0x10c: {  	vm0 =	veq.s32 v58, v59  }
0x10d: {  	v1 =	vnsel vm0, $0x0, v2  }
0x10e: {  	(xrf2) =	vadd.scan.msk.f32 $0xffff, v1;
	_ =	sdelay $0x3  }
0x10f: {  	v60, _, _ =	vpop (xrf2)  }
0x110: {  	v1 =	vadd.f32 $0.0e+00, v60  }
0x111: {  	v61, _, _ =	vpop (xrf2)  }
0x112: {  	v2 =	vadd.f32 $0.0e+00, v61;
	v1 =	vbroadcast v1, $0xF;
	_ =	sdelay $0x1  }
0x113: {  	v2 =	vbroadcast v2, $0xF;
	v0 =	vmul.f32 v1, v0  }
0x114: {  	v62, _, _ =	vpop (xrf2)  }
0x115: {  	v1 =	vadd.f32 $0.0e+00, v62;
	v0 =	vmul.f32 v0, v2;
	_ =	sdelay $0x1  }
0x116: {  	v1 =	vbroadcast v1, $0xF;
	v0 =	vsub.f32 $1.000000000e+00, v0;
	_ =	sdelay $0x1  }
0x117: {  	v1 =	vmul.f32 v0, v1  }
0x118: {  	vm15 =	vmmov $0x7f;
	vm14 =	veq.f32 v46, $0.0e+00  }
0x119: {  	vm0 =	vmand vm14, vm15;
	v1 =	vmul.f32 $1.000000000e+02, v1  }
0x11a: {  	v63 =	vmpcnt.ones.xlane vm0  }
0x11b: {  	v1 =	vadd.f32 v1, v0  }
0x11c: {  	vm0 =	vgt.s32 v63, $0x5  }
0x11d: {  	v0 =	vsel vm0, v1, v0  }
0x11e: {  	s30 =	simm.s32 $0x0;
	s31 =	simm.s32 $0x1A00;
	[tilespmem:$0x1A00] =	vst v0  }
0x11f: {  	[hbm4b:s1+s30] =	stream.linear.scatter [tilespmem:s31], [sflag:$0x3], $0x1, $0x38;
	[tilespmem:$0x1A80] =	vst v63  }
0x120: {  	_ =	swait.ge [sflag:s2], $0x1  }
0x121: {  	[sflag:s2] =	ssyncset.done $0x0  }
0x122: {  	[sflag:s2] =	ssyncadd.s32 $0xFFFFFFFF  }
0x123: {  	_ =	sfence.sel $0x180000  }
0x124: {  	[bflag:$0x0] =	sbarrier.arrive $0xFFFF  }
0x125: {  	_ =	strace $0x90000047  }
0x126: {  	s0 =	sadd.s32 $0x100000, s0;
	[bflag:$0x2] =	sbarrier.arrive $0xFFFF  }
0x127: {  	[sflag:s0] =	ssyncadd.tile.s32 $0x1;
	_ =	shalt  }
.Lfunc_end2:
_tile_overlayer_lowered:
.L_overlay_start_2:
0x128: {  	(tag) =	ssettag $0x2  }
0x129: {  	s0 =	rddreg [dreg:$0x0];
	s2 =	stileid.u32  }
0x12a: {  	s1 =	rddreg [dreg:$0x1];
	p0 =	sne.s32 s2, $0x0  }
0x12b: {  	s3 =	rddreg [dreg:$0x2];
	[bflag:$0x3] =	sbarrier.arrive $0xFFFF;
	s2 =	simm.s32 @!p0 $0x1C03  }
0x12c: {  	[timem:s3], [sflag:s2] =	dma.local @!p0 [hbm:s0], s1  }
0x12d: {  	s0 =	simm.s32 @!p0 $0x3  }
0x12e: {  	_ =	swait.ge @!p0 [sflag:s0], s1  }
0x12f: {  	s1 =	ssub.s32 @!p0 $0x0, s1;
	[sflag:s0] =	ssyncset.done @!p0 $0x0  }
0x130: {  	[sflag:s0] =	ssyncadd.s32 @!p0 s1  }
0x131: {  	[bflag:$0x3] =	sbarrier.arrive $0xFFFF  }
0x132: {  	_ =	shalt  }

</sc_bundles>
